<compile_context>
chip_gen: v7x
topology: tpu7x:2x2x1
jax: 0.10.2.dev20260603
libtpu: 0.0.44.dev20260713+nightly
codegen_flags: <defaults>
</compile_context>

<pallas_src>
import functools

import jax
import jax.numpy as jnp
from jax import lax
from jax.experimental import pallas as pl
from jax.experimental.pallas import tpu as pltpu
from jax.experimental.pallas import tpu_sc as plsc

NC = 2
NS = 16
NW = NC * NS


def _pad8(k):
    return ((k + 7) // 8) * 8


def _sc_mesh():
    return plsc.VectorSubcoreMesh(
        core_axis_name="c", subcore_axis_name="s",
        num_cores=NC, num_subcores=NS)


def _pad_nodes(n):
    return ((n + 1 + NS * 8 - 1) // (NS * 8)) * (NS * 8)


def _make_deg_kernel(n, e, chunk):
    iters = e // NW // chunk
    np_ = _pad_nodes(n)
    rpt = np_ // NS

    @functools.partial(
        pl.kernel,
        out_type=jax.ShapeDtypeStruct((NC, np_, 128), jnp.float32),
        mesh=_sc_mesh(),
        scratch_types=[
            pltpu.VMEM_SHARED((np_, 128), jnp.float32),
            pltpu.VMEM((chunk,), jnp.int32),
            pltpu.VMEM((chunk, 128), jnp.float32),
        ],
    )
    def deg_kernel(dst_hbm, zeros_hbm, ones_hbm, out_hbm, deg_sh, dst_v,
                   ones_v):
        c = lax.axis_index("c")
        s = lax.axis_index("s")
        base = (c * NS + s) * (e // NW)
        pltpu.sync_copy(zeros_hbm, deg_sh.at[pl.ds(s * rpt, rpt)])
        pltpu.sync_copy(ones_hbm, ones_v)
        plsc.subcore_barrier()

        def step(i, carry):
            pltpu.sync_copy(dst_hbm.at[pl.ds(base + i * chunk, chunk)], dst_v)
            pltpu.sync_copy(ones_v, deg_sh.at[dst_v], add=True)
            return carry

        lax.fori_loop(0, iters, step, 0)
        plsc.subcore_barrier()
        pltpu.sync_copy(deg_sh.at[pl.ds(s * rpt, rpt)],
                        out_hbm.at[c, pl.ds(s * rpt, rpt)])

    return deg_kernel


def _make_edge_kernel(n, d, e, chunk):
    iters = e // NW // chunk
    assert iters % 2 == 0
    ept = e // NW
    np_ = _pad_nodes(n)
    rpt = np_ // NS

    @functools.partial(
        pl.kernel,
        out_type=jax.ShapeDtypeStruct((NC, np_, d), jnp.float32),
        mesh=_sc_mesh(),
        scratch_types=[
            pltpu.VMEM_SHARED((np_, d), jnp.float32),
            pltpu.VMEM((chunk,), jnp.int32),
            pltpu.VMEM((chunk,), jnp.int32),
            pltpu.VMEM((chunk, d), jnp.float32),
            pltpu.SemaphoreType.DMA,
        ],
    )
    def edge_kernel(h_hbm, src_hbm, dst_hbm, zeros_hbm, out_hbm,
                    acc_sh, src_v, dst_v, rows, gsem):
        c = lax.axis_index("c")
        s = lax.axis_index("s")
        wid = c * NS + s
        base = wid * ept
        pltpu.sync_copy(zeros_hbm, acc_sh.at[pl.ds(s * rpt, rpt)])
        plsc.subcore_barrier()

        def step(i, carry):
            off = base + i * chunk
            pltpu.sync_copy(src_hbm.at[pl.ds(off, chunk)], src_v)
            pltpu.sync_copy(dst_hbm.at[pl.ds(off, chunk)], dst_v)
            pltpu.async_copy(h_hbm.at[src_v], rows, gsem).wait()
            pltpu.sync_copy(rows, acc_sh.at[dst_v], add=True)
            return carry

        lax.fori_loop(0, iters, step, 0)
        plsc.subcore_barrier()
        pltpu.sync_copy(acc_sh.at[pl.ds(s * rpt, rpt)],
                        out_hbm.at[c, pl.ds(s * rpt, rpt)])

    return edge_kernel


def _dense_pre(degp, x, W1, bn):
    n, d = x.shape

    def body(degp_ref, x_ref, w_ref, h_ref, dinv_ref):
        p = degp_ref[...]
        dv = lax.rsqrt(1.0 + p[0, :, :1] + p[1, :, :1])
        h = jnp.dot(x_ref[...], w_ref[...], preferred_element_type=jnp.float32)
        h_ref[...] = h * dv
        dinv_ref[...] = dv

    return pl.pallas_call(
        body,
        grid=(n // bn,),
        in_specs=[
            pl.BlockSpec((NC, bn, 128), lambda i: (0, i, 0)),
            pl.BlockSpec((bn, d), lambda i: (i, 0)),
            pl.BlockSpec((d, d), lambda i: (0, 0)),
        ],
        out_specs=[
            pl.BlockSpec((bn, d), lambda i: (i, 0)),
            pl.BlockSpec((bn, 1), lambda i: (i, 0)),
        ],
        out_shape=[
            jax.ShapeDtypeStruct((n, d), jnp.float32),
            jax.ShapeDtypeStruct((n, 1), jnp.float32),
        ],
    )(degp, x, W1)


def _dense_mid(accp, h1s, dinv, b1, W2, bn):
    n, d = h1s.shape

    def body(accp_ref, h_ref, dinv_ref, b_ref, w_ref, o_ref):
        p = accp_ref[...]
        dv = dinv_ref[...]
        z = (p[0] + p[1] + h_ref[...]) * dv + b_ref[...]
        g = jax.nn.gelu(z)
        o_ref[...] = jnp.dot(g, w_ref[...],
                             preferred_element_type=jnp.float32) * dv

    return pl.pallas_call(
        body,
        grid=(n // bn,),
        in_specs=[
            pl.BlockSpec((NC, bn, d), lambda i: (0, i, 0)),
            pl.BlockSpec((bn, d), lambda i: (i, 0)),
            pl.BlockSpec((bn, 1), lambda i: (i, 0)),
            pl.BlockSpec((1, d), lambda i: (0, 0)),
            pl.BlockSpec((d, d), lambda i: (0, 0)),
        ],
        out_specs=pl.BlockSpec((bn, d), lambda i: (i, 0)),
        out_shape=jax.ShapeDtypeStruct((n, d), jnp.float32),
    )(accp, h1s, dinv, b1, W2)


def _dense_post(accp, h2s, dinv, b2, bn):
    n, d = h2s.shape

    def body(accp_ref, h_ref, dinv_ref, b_ref, o_ref):
        p = accp_ref[...]
        o_ref[...] = (p[0] + p[1] + h_ref[...]) * dinv_ref[...] + b_ref[...]

    return pl.pallas_call(
        body,
        grid=(n // bn,),
        in_specs=[
            pl.BlockSpec((NC, bn, d), lambda i: (0, i, 0)),
            pl.BlockSpec((bn, d), lambda i: (i, 0)),
            pl.BlockSpec((bn, 1), lambda i: (i, 0)),
            pl.BlockSpec((1, d), lambda i: (0, 0)),
        ],
        out_specs=pl.BlockSpec((bn, d), lambda i: (i, 0)),
        out_shape=jax.ShapeDtypeStruct((n, d), jnp.float32),
    )(accp, h2s, dinv, b2)


def kernel(x, edge_index, W1, b1, W2, b2):
    n, d = x.shape
    e = edge_index.shape[1]
    chunk = 80
    bn = 1000
    assert n % NS == 0 and n % bn == 0
    iters = -(-e // (NW * chunk))
    iters = _pad8(iters)
    e_pad = NW * iters * chunk

    src = edge_index[0].astype(jnp.int32)
    dst = edge_index[1].astype(jnp.int32)
    np_ = _pad_nodes(n)
    n_dummy = e_pad - e + chunk
    src1 = jnp.concatenate(
        [src, jnp.arange(n_dummy, dtype=jnp.int32) % n])
    dst1 = jnp.concatenate(
        [dst, n + (jnp.arange(n_dummy, dtype=jnp.int32) % (np_ - n))])
    rpt = _pad_nodes(n) // NS
    zeros128 = jnp.zeros((rpt, 128), jnp.float32)
    ones128 = jnp.ones((chunk, 128), jnp.float32)
    zerosd = jnp.zeros((rpt, d), jnp.float32)
    b1r = b1.reshape(1, d)
    b2r = b2.reshape(1, d)

    edge_k = _make_edge_kernel(n, d, e_pad, chunk)

    degp = _make_deg_kernel(n, e_pad, chunk)(dst1, zeros128, ones128)
    h1s, dinv = _dense_pre(degp, x, W1, bn)
    acc1 = edge_k(h1s, src1, dst1, zerosd)
    h2s = _dense_mid(acc1, h1s, dinv, b1r, W2, bn)
    acc2 = edge_k(h2s, src1, dst1, zerosd)
    return _dense_post(acc2, h2s, dinv, b2r, bn)

# --- scband reference (transcript-rebuilt; emitter-appended) ---
"""Pipeline reference for scband-route-predictor-41996190221102 (READ-ONLY COPY).

The authoritative reference and input builder live on the scoring server;
editing this copy changes nothing except your own understanding.
"""

import jax, jax.numpy as jnp
import numpy as np

N_NODES = 10000

def gcn_conv(x, src, dst, W, b, n):
    # symmetric normalization with self-loops (PyG GCNConv default)
    loop = jnp.arange(n, dtype=src.dtype)
    src_sl = jnp.concatenate([src, loop])
    dst_sl = jnp.concatenate([dst, loop])
    deg = jnp.zeros((n,), dtype=x.dtype).at[dst_sl].add(1.0)
    dinv = jnp.where(deg > 0, jax.lax.rsqrt(deg), 0.0)
    norm = dinv[src_sl] * dinv[dst_sl]
    h = x @ W
    msg = h[src_sl] * norm[:, None]
    out = jax.ops.segment_sum(msg, dst_sl, num_segments=n)
    return out + b

def setup_inputs(seed: int = 0) -> dict:
    key = jax.random.key(seed)
    k1, k2, k3, k4 = jax.random.split(key, 4)
    x = jax.random.normal(k1, (N_NODES, 128), dtype=jnp.float32)
    edge_index = jax.random.randint(k2, (2, 320000), 0, N_NODES, dtype=jnp.int64)
    W1 = jax.random.normal(k3, (128, 128), dtype=jnp.float32) * (1.0 / np.sqrt(128))
    b1 = jnp.zeros((128,), dtype=jnp.float32)
    W2 = jax.random.normal(k4, (128, 128), dtype=jnp.float32) * (1.0 / np.sqrt(128))
    b2 = jnp.zeros((128,), dtype=jnp.float32)
    return {"x": x, "edge_index": edge_index, "W1": W1, "b1": b1, "W2": W2, "b2": b2}

def reference(x, edge_index, W1, b1, W2, b2):
    n = x.shape[0]
    src, dst = edge_index[0], edge_index[1]
    h = gcn_conv(x, src, dst, W1, b1, n)
    h = jax.nn.gelu(h)
    out = gcn_conv(h, src, dst, W2, b2, n)
    return out

if __name__ == "__main__":
    import jax
    _d = setup_inputs()
    print(jax.jit(kernel)(*tuple(_d.values())))

</pallas_src>

<mosaic_0001>
#map = affine_map<(d0, d1) -> (0)>
#map1 = affine_map<(d0, d1) -> (0, 0)>
#map2 = affine_map<(d0, d1) -> (0, 0, 0)>
module attributes {stable_mosaic.version = 14 : i64} {
  func.func @deg_kernel(%arg0: i32, %arg1: i32, %arg2: memref<327760xi32, #tpu.memory_space<hbm>>, %arg3: memref<632x128xf32, #tpu.memory_space<hbm>>, %arg4: memref<80x128xf32, #tpu.memory_space<hbm>>, %arg5: memref<2x10112x128xf32, #tpu.memory_space<hbm>>, %arg6: memref<10112x128xf32, #tpu.memory_space<vmem_shared>>, %arg7: memref<80xi32, #tpu.memory_space<vmem>>, %arg8: memref<80x128xf32, #tpu.memory_space<vmem>>) attributes {dimension_semantics = [#tpu.dimension_semantics<core_parallel>, #tpu.dimension_semantics<subcore_parallel>], iteration_bounds = array<i64: 2, 16>, scalar_prefetch = 0 : i64, scratch_operands = 3 : i64, tpu.core_type = #tpu.core_type<sc_vector_subcore>, window_params = [{transform_indices = #map}, {transform_indices = #map1}, {transform_indices = #map1}, {transform_indices = #map2}]} {
    %mul3A = arith.constant 16 : i32
    %mul3A_0 = arith.muli %arg0, %mul3A : i32
    %add3A = arith.addi %mul3A_0, %arg1 : i32
    %mul3A_1 = arith.constant 10240 : i32
    %mul3A_2 = arith.muli %add3A, %mul3A_1 : i32
    %mul3A_3 = arith.constant 632 : i32
    %mul3A_4 = arith.muli %arg1, %mul3A_3 : i32
    "tpu.region"() ({
      %run_scoped3A = tpu.sem_alloc : memref<!tpu.dma_semaphore, #tpu.memory_space<semaphore_mem>>
      %dma_start3A = arith.constant 0 : i32
      %dma_start3A_15 = tpu.memref_slice %arg6[%mul3A_4, %dma_start3A] : memref<10112x128xf32, #tpu.memory_space<vmem_shared>> -> memref<632x128xf32, #tpu.memory_space<vmem_shared>>
      tpu.enqueue_dma source(%arg3 : memref<632x128xf32, #tpu.memory_space<hbm>>) target(%dma_start3A_15 : memref<632x128xf32, #tpu.memory_space<vmem_shared>>) target_semaphore(%run_scoped3A : memref<!tpu.dma_semaphore, #tpu.memory_space<semaphore_mem>>)
      %dma_wait3A = arith.constant 0 : i32
      %dma_wait3A_16 = tpu.memref_slice %arg6[%mul3A_4, %dma_wait3A] : memref<10112x128xf32, #tpu.memory_space<vmem_shared>> -> memref<632x128xf32, #tpu.memory_space<vmem_shared>>
      tpu.wait_dma2 semaphore(%run_scoped3A : memref<!tpu.dma_semaphore, #tpu.memory_space<semaphore_mem>>) src(%arg3 : memref<632x128xf32, #tpu.memory_space<hbm>>) dst(%dma_wait3A_16 : memref<632x128xf32, #tpu.memory_space<vmem_shared>>)
      tpu.yield
    }) : () -> ()
    "tpu.region"() ({
      %run_scoped3A = tpu.sem_alloc : memref<!tpu.dma_semaphore, #tpu.memory_space<semaphore_mem>>
      tpu.enqueue_dma source(%arg4 : memref<80x128xf32, #tpu.memory_space<hbm>>) target(%arg8 : memref<80x128xf32, #tpu.memory_space<vmem>>) target_semaphore(%run_scoped3A : memref<!tpu.dma_semaphore, #tpu.memory_space<semaphore_mem>>)
      tpu.wait_dma2 semaphore(%run_scoped3A : memref<!tpu.dma_semaphore, #tpu.memory_space<semaphore_mem>>) src(%arg4 : memref<80x128xf32, #tpu.memory_space<hbm>>) dst(%arg8 : memref<80x128xf32, #tpu.memory_space<vmem>>)
      tpu.yield
    }) : () -> ()
    %barrier3A = arith.constant 0 : index
    tpu.barrier barrier_id(%barrier3A)
    %scan3A = arith.constant 0 : i32
    %scan3A_5 = arith.constant 0 : i32
    %scan3A_6 = arith.constant 128 : i32
    %scan3A_7 = arith.addi %scan3A_5, %scan3A_6 : i32
    %scan3A_8 = arith.constant 1 : i32
    scf.for %scan3A_15 = %scan3A_5 to %scan3A_7 step %scan3A_8  : i32 {
      %mul3A_16 = arith.constant 80 : i32
      %mul3A_17 = arith.muli %scan3A_15, %mul3A_16 : i32
      %add3A_18 = arith.addi %mul3A_2, %mul3A_17 : i32
      "tpu.region"() ({
        %run_scoped3A = tpu.sem_alloc : memref<!tpu.dma_semaphore, #tpu.memory_space<semaphore_mem>>
        %dma_start3A = tpu.memref_slice %arg2[%add3A_18] : memref<327760xi32, #tpu.memory_space<hbm>> -> memref<80xi32, #tpu.memory_space<hbm>>
        %dma_start3A_19 = tpu.memref_slice %arg2[%add3A_18] : memref<327760xi32, #tpu.memory_space<hbm>> -> memref<80xi32, #tpu.memory_space<hbm>>
        tpu.enqueue_dma source(%dma_start3A_19 : memref<80xi32, #tpu.memory_space<hbm>>) target(%arg7 : memref<80xi32, #tpu.memory_space<vmem>>) target_semaphore(%run_scoped3A : memref<!tpu.dma_semaphore, #tpu.memory_space<semaphore_mem>>)
        %dma_wait3A = tpu.memref_slice %arg2[%add3A_18] : memref<327760xi32, #tpu.memory_space<hbm>> -> memref<80xi32, #tpu.memory_space<hbm>>
        %dma_wait3A_20 = tpu.memref_slice %arg2[%add3A_18] : memref<327760xi32, #tpu.memory_space<hbm>> -> memref<80xi32, #tpu.memory_space<hbm>>
        tpu.wait_dma2 semaphore(%run_scoped3A : memref<!tpu.dma_semaphore, #tpu.memory_space<semaphore_mem>>) src(%dma_wait3A_20 : memref<80xi32, #tpu.memory_space<hbm>>) dst(%arg7 : memref<80xi32, #tpu.memory_space<vmem>>)
        tpu.yield
      }) : () -> ()
      "tpu.region"() ({
        %run_scoped3A = tpu.sem_alloc : memref<!tpu.dma_semaphore, #tpu.memory_space<semaphore_mem>>
        %dma_start3A = arith.constant 0 : i32
        %dma_start3A_19 = arith.constant 0 : i32
        %dma_start3A_20 = tpu.memref_slice %arg6[%dma_start3A, %dma_start3A_19] : memref<10112x128xf32, #tpu.memory_space<vmem_shared>> -> memref<10112x128xf32, #tpu.memory_space<vmem_shared>>
        tpu.enqueue_indirect_dma source(%arg8 : memref<80x128xf32, #tpu.memory_space<vmem>>) target(%dma_start3A_20 : memref<10112x128xf32, #tpu.memory_space<vmem_shared>>) offsets(%arg7 : memref<80xi32, #tpu.memory_space<vmem>>) semaphore(%run_scoped3A : memref<!tpu.dma_semaphore, #tpu.memory_space<semaphore_mem>>) {add = true}
        %dma_wait3A = arith.constant 0 : i32
        %dma_wait3A_21 = arith.constant 0 : i32
        %dma_wait3A_22 = tpu.memref_slice %arg6[%dma_wait3A, %dma_wait3A_21] : memref<10112x128xf32, #tpu.memory_space<vmem_shared>> -> memref<10112x128xf32, #tpu.memory_space<vmem_shared>>
        tpu.wait_indirect_dma semaphore(%run_scoped3A : memref<!tpu.dma_semaphore, #tpu.memory_space<semaphore_mem>>) src(%arg8 : memref<80x128xf32, #tpu.memory_space<vmem>>) dst(%dma_wait3A_22 : memref<10112x128xf32, #tpu.memory_space<vmem_shared>>)
        tpu.yield
      }) : () -> ()
    }
    %scan3A_9 = arith.constant 128 : i32
    %barrier3A_10 = arith.constant 0 : index
    tpu.barrier barrier_id(%barrier3A_10)
    %mul3A_11 = arith.constant 632 : i32
    %mul3A_12 = arith.muli %arg1, %mul3A_11 : i32
    %mul3A_13 = arith.constant 632 : i32
    %mul3A_14 = arith.muli %arg1, %mul3A_13 : i32
    "tpu.region"() ({
      %run_scoped3A = tpu.sem_alloc : memref<!tpu.dma_semaphore, #tpu.memory_space<semaphore_mem>>
      %dma_start3A = arith.constant 0 : i32
      %dma_start3A_15 = tpu.memref_slice %arg5[%arg0, %mul3A_14, %dma_start3A] : memref<2x10112x128xf32, #tpu.memory_space<hbm>> -> memref<1x632x128xf32, #tpu.memory_space<hbm>>
      %dma_start3A_16 = tpu.memref_squeeze %dma_start3A_15 : memref<1x632x128xf32, #tpu.memory_space<hbm>> -> memref<632x128xf32, #tpu.memory_space<hbm>>
      %dma_start3A_17 = arith.constant 0 : i32
      %dma_start3A_18 = tpu.memref_slice %arg6[%mul3A_12, %dma_start3A_17] : memref<10112x128xf32, #tpu.memory_space<vmem_shared>> -> memref<632x128xf32, #tpu.memory_space<vmem_shared>>
      tpu.enqueue_dma source(%dma_start3A_18 : memref<632x128xf32, #tpu.memory_space<vmem_shared>>) target(%dma_start3A_16 : memref<632x128xf32, #tpu.memory_space<hbm>>) target_semaphore(%run_scoped3A : memref<!tpu.dma_semaphore, #tpu.memory_space<semaphore_mem>>)
      %dma_wait3A = arith.constant 0 : i32
      %dma_wait3A_19 = tpu.memref_slice %arg5[%arg0, %mul3A_14, %dma_wait3A] : memref<2x10112x128xf32, #tpu.memory_space<hbm>> -> memref<1x632x128xf32, #tpu.memory_space<hbm>>
      %dma_wait3A_20 = tpu.memref_squeeze %dma_wait3A_19 : memref<1x632x128xf32, #tpu.memory_space<hbm>> -> memref<632x128xf32, #tpu.memory_space<hbm>>
      %dma_wait3A_21 = arith.constant 0 : i32
      %dma_wait3A_22 = tpu.memref_slice %arg6[%mul3A_12, %dma_wait3A_21] : memref<10112x128xf32, #tpu.memory_space<vmem_shared>> -> memref<632x128xf32, #tpu.memory_space<vmem_shared>>
      tpu.wait_dma2 semaphore(%run_scoped3A : memref<!tpu.dma_semaphore, #tpu.memory_space<semaphore_mem>>) src(%dma_wait3A_22 : memref<632x128xf32, #tpu.memory_space<vmem_shared>>) dst(%dma_wait3A_20 : memref<632x128xf32, #tpu.memory_space<hbm>>)
      tpu.yield
    }) : () -> ()
    return
  }
}

#map = affine_map<(d0, d1) -> (0, 0)>
#map1 = affine_map<(d0, d1) -> (0)>
#map2 = affine_map<(d0, d1) -> (0, 0, 0)>
module attributes {stable_mosaic.version = 14 : i64} {
  func.func @edge_kernel(%arg0: i32, %arg1: i32, %arg2: memref<10000x128xf32, #tpu.memory_space<hbm>>, %arg3: memref<327760xi32, #tpu.memory_space<hbm>>, %arg4: memref<327760xi32, #tpu.memory_space<hbm>>, %arg5: memref<632x128xf32, #tpu.memory_space<hbm>>, %arg6: memref<2x10112x128xf32, #tpu.memory_space<hbm>>, %arg7: memref<10112x128xf32, #tpu.memory_space<vmem_shared>>, %arg8: memref<80xi32, #tpu.memory_space<vmem>>, %arg9: memref<80xi32, #tpu.memory_space<vmem>>, %arg10: memref<80x128xf32, #tpu.memory_space<vmem>>, %arg11: memref<!tpu.dma_semaphore, #tpu.memory_space<semaphore_mem>>) attributes {dimension_semantics = [#tpu.dimension_semantics<core_parallel>, #tpu.dimension_semantics<subcore_parallel>], iteration_bounds = array<i64: 2, 16>, scalar_prefetch = 0 : i64, scratch_operands = 5 : i64, tpu.core_type = #tpu.core_type<sc_vector_subcore>, window_params = [{transform_indices = #map}, {transform_indices = #map1}, {transform_indices = #map1}, {transform_indices = #map}, {transform_indices = #map2}]} {
    %mul3A = arith.constant 16 : i32
    %mul3A_0 = arith.muli %arg0, %mul3A : i32
    %add3A = arith.addi %mul3A_0, %arg1 : i32
    %mul3A_1 = arith.constant 10240 : i32
    %mul3A_2 = arith.muli %add3A, %mul3A_1 : i32
    %mul3A_3 = arith.constant 632 : i32
    %mul3A_4 = arith.muli %arg1, %mul3A_3 : i32
    "tpu.region"() ({
      %run_scoped3A = tpu.sem_alloc : memref<!tpu.dma_semaphore, #tpu.memory_space<semaphore_mem>>
      %dma_start3A = arith.constant 0 : i32
      %dma_start3A_15 = tpu.memref_slice %arg7[%mul3A_4, %dma_start3A] : memref<10112x128xf32, #tpu.memory_space<vmem_shared>> -> memref<632x128xf32, #tpu.memory_space<vmem_shared>>
      tpu.enqueue_dma source(%arg5 : memref<632x128xf32, #tpu.memory_space<hbm>>) target(%dma_start3A_15 : memref<632x128xf32, #tpu.memory_space<vmem_shared>>) target_semaphore(%run_scoped3A : memref<!tpu.dma_semaphore, #tpu.memory_space<semaphore_mem>>)
      %dma_wait3A = arith.constant 0 : i32
      %dma_wait3A_16 = tpu.memref_slice %arg7[%mul3A_4, %dma_wait3A] : memref<10112x128xf32, #tpu.memory_space<vmem_shared>> -> memref<632x128xf32, #tpu.memory_space<vmem_shared>>
      tpu.wait_dma2 semaphore(%run_scoped3A : memref<!tpu.dma_semaphore, #tpu.memory_space<semaphore_mem>>) src(%arg5 : memref<632x128xf32, #tpu.memory_space<hbm>>) dst(%dma_wait3A_16 : memref<632x128xf32, #tpu.memory_space<vmem_shared>>)
      tpu.yield
    }) : () -> ()
    %barrier3A = arith.constant 0 : index
    tpu.barrier barrier_id(%barrier3A)
    %scan3A = arith.constant 0 : i32
    %scan3A_5 = arith.constant 0 : i32
    %scan3A_6 = arith.constant 128 : i32
    %scan3A_7 = arith.addi %scan3A_5, %scan3A_6 : i32
    %scan3A_8 = arith.constant 1 : i32
    scf.for %scan3A_15 = %scan3A_5 to %scan3A_7 step %scan3A_8  : i32 {
      %mul3A_16 = arith.constant 80 : i32
      %mul3A_17 = arith.muli %scan3A_15, %mul3A_16 : i32
      %add3A_18 = arith.addi %mul3A_2, %mul3A_17 : i32
      "tpu.region"() ({
        %run_scoped3A = tpu.sem_alloc : memref<!tpu.dma_semaphore, #tpu.memory_space<semaphore_mem>>
        %dma_start3A_23 = tpu.memref_slice %arg3[%add3A_18] : memref<327760xi32, #tpu.memory_space<hbm>> -> memref<80xi32, #tpu.memory_space<hbm>>
        %dma_start3A_24 = tpu.memref_slice %arg3[%add3A_18] : memref<327760xi32, #tpu.memory_space<hbm>> -> memref<80xi32, #tpu.memory_space<hbm>>
        tpu.enqueue_dma source(%dma_start3A_24 : memref<80xi32, #tpu.memory_space<hbm>>) target(%arg8 : memref<80xi32, #tpu.memory_space<vmem>>) target_semaphore(%run_scoped3A : memref<!tpu.dma_semaphore, #tpu.memory_space<semaphore_mem>>)
        %dma_wait3A_25 = tpu.memref_slice %arg3[%add3A_18] : memref<327760xi32, #tpu.memory_space<hbm>> -> memref<80xi32, #tpu.memory_space<hbm>>
        %dma_wait3A_26 = tpu.memref_slice %arg3[%add3A_18] : memref<327760xi32, #tpu.memory_space<hbm>> -> memref<80xi32, #tpu.memory_space<hbm>>
        tpu.wait_dma2 semaphore(%run_scoped3A : memref<!tpu.dma_semaphore, #tpu.memory_space<semaphore_mem>>) src(%dma_wait3A_26 : memref<80xi32, #tpu.memory_space<hbm>>) dst(%arg8 : memref<80xi32, #tpu.memory_space<vmem>>)
        tpu.yield
      }) : () -> ()
      "tpu.region"() ({
        %run_scoped3A = tpu.sem_alloc : memref<!tpu.dma_semaphore, #tpu.memory_space<semaphore_mem>>
        %dma_start3A_23 = tpu.memref_slice %arg4[%add3A_18] : memref<327760xi32, #tpu.memory_space<hbm>> -> memref<80xi32, #tpu.memory_space<hbm>>
        %dma_start3A_24 = tpu.memref_slice %arg4[%add3A_18] : memref<327760xi32, #tpu.memory_space<hbm>> -> memref<80xi32, #tpu.memory_space<hbm>>
        tpu.enqueue_dma source(%dma_start3A_24 : memref<80xi32, #tpu.memory_space<hbm>>) target(%arg9 : memref<80xi32, #tpu.memory_space<vmem>>) target_semaphore(%run_scoped3A : memref<!tpu.dma_semaphore, #tpu.memory_space<semaphore_mem>>)
        %dma_wait3A_25 = tpu.memref_slice %arg4[%add3A_18] : memref<327760xi32, #tpu.memory_space<hbm>> -> memref<80xi32, #tpu.memory_space<hbm>>
        %dma_wait3A_26 = tpu.memref_slice %arg4[%add3A_18] : memref<327760xi32, #tpu.memory_space<hbm>> -> memref<80xi32, #tpu.memory_space<hbm>>
        tpu.wait_dma2 semaphore(%run_scoped3A : memref<!tpu.dma_semaphore, #tpu.memory_space<semaphore_mem>>) src(%dma_wait3A_26 : memref<80xi32, #tpu.memory_space<hbm>>) dst(%arg9 : memref<80xi32, #tpu.memory_space<vmem>>)
        tpu.yield
      }) : () -> ()
      %dma_start3A = arith.constant 0 : i32
      %dma_start3A_19 = arith.constant 0 : i32
      %dma_start3A_20 = tpu.memref_slice %arg2[%dma_start3A, %dma_start3A_19] : memref<10000x128xf32, #tpu.memory_space<hbm>> -> memref<10000x128xf32, #tpu.memory_space<hbm>>
      tpu.enqueue_indirect_dma source(%dma_start3A_20 : memref<10000x128xf32, #tpu.memory_space<hbm>>) target(%arg10 : memref<80x128xf32, #tpu.memory_space<vmem>>) offsets(%arg8 : memref<80xi32, #tpu.memory_space<vmem>>) semaphore(%arg11 : memref<!tpu.dma_semaphore, #tpu.memory_space<semaphore_mem>>)
      %dma_wait3A = arith.constant 0 : i32
      %dma_wait3A_21 = arith.constant 0 : i32
      %dma_wait3A_22 = tpu.memref_slice %arg2[%dma_wait3A, %dma_wait3A_21] : memref<10000x128xf32, #tpu.memory_space<hbm>> -> memref<10000x128xf32, #tpu.memory_space<hbm>>
      tpu.wait_indirect_dma semaphore(%arg11 : memref<!tpu.dma_semaphore, #tpu.memory_space<semaphore_mem>>) src(%dma_wait3A_22 : memref<10000x128xf32, #tpu.memory_space<hbm>>) dst(%arg10 : memref<80x128xf32, #tpu.memory_space<vmem>>)
      "tpu.region"() ({
        %run_scoped3A = tpu.sem_alloc : memref<!tpu.dma_semaphore, #tpu.memory_space<semaphore_mem>>
        %dma_start3A_23 = arith.constant 0 : i32
        %dma_start3A_24 = arith.constant 0 : i32
        %dma_start3A_25 = tpu.memref_slice %arg7[%dma_start3A_23, %dma_start3A_24] : memref<10112x128xf32, #tpu.memory_space<vmem_shared>> -> memref<10112x128xf32, #tpu.memory_space<vmem_shared>>
        tpu.enqueue_indirect_dma source(%arg10 : memref<80x128xf32, #tpu.memory_space<vmem>>) target(%dma_start3A_25 : memref<10112x128xf32, #tpu.memory_space<vmem_shared>>) offsets(%arg9 : memref<80xi32, #tpu.memory_space<vmem>>) semaphore(%run_scoped3A : memref<!tpu.dma_semaphore, #tpu.memory_space<semaphore_mem>>) {add = true}
        %dma_wait3A_26 = arith.constant 0 : i32
        %dma_wait3A_27 = arith.constant 0 : i32
        %dma_wait3A_28 = tpu.memref_slice %arg7[%dma_wait3A_26, %dma_wait3A_27] : memref<10112x128xf32, #tpu.memory_space<vmem_shared>> -> memref<10112x128xf32, #tpu.memory_space<vmem_shared>>
        tpu.wait_indirect_dma semaphore(%run_scoped3A : memref<!tpu.dma_semaphore, #tpu.memory_space<semaphore_mem>>) src(%arg10 : memref<80x128xf32, #tpu.memory_space<vmem>>) dst(%dma_wait3A_28 : memref<10112x128xf32, #tpu.memory_space<vmem_shared>>)
        tpu.yield
      }) : () -> ()
    }
    %scan3A_9 = arith.constant 128 : i32
    %barrier3A_10 = arith.constant 0 : index
    tpu.barrier barrier_id(%barrier3A_10)
    %mul3A_11 = arith.constant 632 : i32
    %mul3A_12 = arith.muli %arg1, %mul3A_11 : i32
    %mul3A_13 = arith.constant 632 : i32
    %mul3A_14 = arith.muli %arg1, %mul3A_13 : i32
    "tpu.region"() ({
      %run_scoped3A = tpu.sem_alloc : memref<!tpu.dma_semaphore, #tpu.memory_space<semaphore_mem>>
      %dma_start3A = arith.constant 0 : i32
      %dma_start3A_15 = tpu.memref_slice %arg6[%arg0, %mul3A_14, %dma_start3A] : memref<2x10112x128xf32, #tpu.memory_space<hbm>> -> memref<1x632x128xf32, #tpu.memory_space<hbm>>
      %dma_start3A_16 = tpu.memref_squeeze %dma_start3A_15 : memref<1x632x128xf32, #tpu.memory_space<hbm>> -> memref<632x128xf32, #tpu.memory_space<hbm>>
      %dma_start3A_17 = arith.constant 0 : i32
      %dma_start3A_18 = tpu.memref_slice %arg7[%mul3A_12, %dma_start3A_17] : memref<10112x128xf32, #tpu.memory_space<vmem_shared>> -> memref<632x128xf32, #tpu.memory_space<vmem_shared>>
      tpu.enqueue_dma source(%dma_start3A_18 : memref<632x128xf32, #tpu.memory_space<vmem_shared>>) target(%dma_start3A_16 : memref<632x128xf32, #tpu.memory_space<hbm>>) target_semaphore(%run_scoped3A : memref<!tpu.dma_semaphore, #tpu.memory_space<semaphore_mem>>)
      %dma_wait3A = arith.constant 0 : i32
      %dma_wait3A_19 = tpu.memref_slice %arg6[%arg0, %mul3A_14, %dma_wait3A] : memref<2x10112x128xf32, #tpu.memory_space<hbm>> -> memref<1x632x128xf32, #tpu.memory_space<hbm>>
      %dma_wait3A_20 = tpu.memref_squeeze %dma_wait3A_19 : memref<1x632x128xf32, #tpu.memory_space<hbm>> -> memref<632x128xf32, #tpu.memory_space<hbm>>
      %dma_wait3A_21 = arith.constant 0 : i32
      %dma_wait3A_22 = tpu.memref_slice %arg7[%mul3A_12, %dma_wait3A_21] : memref<10112x128xf32, #tpu.memory_space<vmem_shared>> -> memref<632x128xf32, #tpu.memory_space<vmem_shared>>
      tpu.wait_dma2 semaphore(%run_scoped3A : memref<!tpu.dma_semaphore, #tpu.memory_space<semaphore_mem>>) src(%dma_wait3A_22 : memref<632x128xf32, #tpu.memory_space<vmem_shared>>) dst(%dma_wait3A_20 : memref<632x128xf32, #tpu.memory_space<hbm>>)
      tpu.yield
    }) : () -> ()
    return
  }
}

#map = affine_map<(d0, d1) -> (0, 0)>
#map1 = affine_map<(d0, d1) -> (0)>
#map2 = affine_map<(d0, d1) -> (0, 0, 0)>
module attributes {stable_mosaic.version = 14 : i64} {
  func.func @edge_kernel(%arg0: i32, %arg1: i32, %arg2: memref<10000x128xf32, #tpu.memory_space<hbm>>, %arg3: memref<327760xi32, #tpu.memory_space<hbm>>, %arg4: memref<327760xi32, #tpu.memory_space<hbm>>, %arg5: memref<632x128xf32, #tpu.memory_space<hbm>>, %arg6: memref<2x10112x128xf32, #tpu.memory_space<hbm>>, %arg7: memref<10112x128xf32, #tpu.memory_space<vmem_shared>>, %arg8: memref<80xi32, #tpu.memory_space<vmem>>, %arg9: memref<80xi32, #tpu.memory_space<vmem>>, %arg10: memref<80x128xf32, #tpu.memory_space<vmem>>, %arg11: memref<!tpu.dma_semaphore, #tpu.memory_space<semaphore_mem>>) attributes {dimension_semantics = [#tpu.dimension_semantics<core_parallel>, #tpu.dimension_semantics<subcore_parallel>], iteration_bounds = array<i64: 2, 16>, scalar_prefetch = 0 : i64, scratch_operands = 5 : i64, tpu.core_type = #tpu.core_type<sc_vector_subcore>, window_params = [{transform_indices = #map}, {transform_indices = #map1}, {transform_indices = #map1}, {transform_indices = #map}, {transform_indices = #map2}]} {
    %mul3A = arith.constant 16 : i32
    %mul3A_0 = arith.muli %arg0, %mul3A : i32
    %add3A = arith.addi %mul3A_0, %arg1 : i32
    %mul3A_1 = arith.constant 10240 : i32
    %mul3A_2 = arith.muli %add3A, %mul3A_1 : i32
    %mul3A_3 = arith.constant 632 : i32
    %mul3A_4 = arith.muli %arg1, %mul3A_3 : i32
    "tpu.region"() ({
      %run_scoped3A = tpu.sem_alloc : memref<!tpu.dma_semaphore, #tpu.memory_space<semaphore_mem>>
      %dma_start3A = arith.constant 0 : i32
      %dma_start3A_15 = tpu.memref_slice %arg7[%mul3A_4, %dma_start3A] : memref<10112x128xf32, #tpu.memory_space<vmem_shared>> -> memref<632x128xf32, #tpu.memory_space<vmem_shared>>
      tpu.enqueue_dma source(%arg5 : memref<632x128xf32, #tpu.memory_space<hbm>>) target(%dma_start3A_15 : memref<632x128xf32, #tpu.memory_space<vmem_shared>>) target_semaphore(%run_scoped3A : memref<!tpu.dma_semaphore, #tpu.memory_space<semaphore_mem>>)
      %dma_wait3A = arith.constant 0 : i32
      %dma_wait3A_16 = tpu.memref_slice %arg7[%mul3A_4, %dma_wait3A] : memref<10112x128xf32, #tpu.memory_space<vmem_shared>> -> memref<632x128xf32, #tpu.memory_space<vmem_shared>>
      tpu.wait_dma2 semaphore(%run_scoped3A : memref<!tpu.dma_semaphore, #tpu.memory_space<semaphore_mem>>) src(%arg5 : memref<632x128xf32, #tpu.memory_space<hbm>>) dst(%dma_wait3A_16 : memref<632x128xf32, #tpu.memory_space<vmem_shared>>)
      tpu.yield
    }) : () -> ()
    %barrier3A = arith.constant 0 : index
    tpu.barrier barrier_id(%barrier3A)
    %scan3A = arith.constant 0 : i32
    %scan3A_5 = arith.constant 0 : i32
    %scan3A_6 = arith.constant 128 : i32
    %scan3A_7 = arith.addi %scan3A_5, %scan3A_6 : i32
    %scan3A_8 = arith.constant 1 : i32
    scf.for %scan3A_15 = %scan3A_5 to %scan3A_7 step %scan3A_8  : i32 {
      %mul3A_16 = arith.constant 80 : i32
      %mul3A_17 = arith.muli %scan3A_15, %mul3A_16 : i32
      %add3A_18 = arith.addi %mul3A_2, %mul3A_17 : i32
      "tpu.region"() ({
        %run_scoped3A = tpu.sem_alloc : memref<!tpu.dma_semaphore, #tpu.memory_space<semaphore_mem>>
        %dma_start3A_23 = tpu.memref_slice %arg3[%add3A_18] : memref<327760xi32, #tpu.memory_space<hbm>> -> memref<80xi32, #tpu.memory_space<hbm>>
        %dma_start3A_24 = tpu.memref_slice %arg3[%add3A_18] : memref<327760xi32, #tpu.memory_space<hbm>> -> memref<80xi32, #tpu.memory_space<hbm>>
        tpu.enqueue_dma source(%dma_start3A_24 : memref<80xi32, #tpu.memory_space<hbm>>) target(%arg8 : memref<80xi32, #tpu.memory_space<vmem>>) target_semaphore(%run_scoped3A : memref<!tpu.dma_semaphore, #tpu.memory_space<semaphore_mem>>)
        %dma_wait3A_25 = tpu.memref_slice %arg3[%add3A_18] : memref<327760xi32, #tpu.memory_space<hbm>> -> memref<80xi32, #tpu.memory_space<hbm>>
        %dma_wait3A_26 = tpu.memref_slice %arg3[%add3A_18] : memref<327760xi32, #tpu.memory_space<hbm>> -> memref<80xi32, #tpu.memory_space<hbm>>
        tpu.wait_dma2 semaphore(%run_scoped3A : memref<!tpu.dma_semaphore, #tpu.memory_space<semaphore_mem>>) src(%dma_wait3A_26 : memref<80xi32, #tpu.memory_space<hbm>>) dst(%arg8 : memref<80xi32, #tpu.memory_space<vmem>>)
        tpu.yield
      }) : () -> ()
      "tpu.region"() ({
        %run_scoped3A = tpu.sem_alloc : memref<!tpu.dma_semaphore, #tpu.memory_space<semaphore_mem>>
        %dma_start3A_23 = tpu.memref_slice %arg4[%add3A_18] : memref<327760xi32, #tpu.memory_space<hbm>> -> memref<80xi32, #tpu.memory_space<hbm>>
        %dma_start3A_24 = tpu.memref_slice %arg4[%add3A_18] : memref<327760xi32, #tpu.memory_space<hbm>> -> memref<80xi32, #tpu.memory_space<hbm>>
        tpu.enqueue_dma source(%dma_start3A_24 : memref<80xi32, #tpu.memory_space<hbm>>) target(%arg9 : memref<80xi32, #tpu.memory_space<vmem>>) target_semaphore(%run_scoped3A : memref<!tpu.dma_semaphore, #tpu.memory_space<semaphore_mem>>)
        %dma_wait3A_25 = tpu.memref_slice %arg4[%add3A_18] : memref<327760xi32, #tpu.memory_space<hbm>> -> memref<80xi32, #tpu.memory_space<hbm>>
        %dma_wait3A_26 = tpu.memref_slice %arg4[%add3A_18] : memref<327760xi32, #tpu.memory_space<hbm>> -> memref<80xi32, #tpu.memory_space<hbm>>
        tpu.wait_dma2 semaphore(%run_scoped3A : memref<!tpu.dma_semaphore, #tpu.memory_space<semaphore_mem>>) src(%dma_wait3A_26 : memref<80xi32, #tpu.memory_space<hbm>>) dst(%arg9 : memref<80xi32, #tpu.memory_space<vmem>>)
        tpu.yield
      }) : () -> ()
      %dma_start3A = arith.constant 0 : i32
      %dma_start3A_19 = arith.constant 0 : i32
      %dma_start3A_20 = tpu.memref_slice %arg2[%dma_start3A, %dma_start3A_19] : memref<10000x128xf32, #tpu.memory_space<hbm>> -> memref<10000x128xf32, #tpu.memory_space<hbm>>
      tpu.enqueue_indirect_dma source(%dma_start3A_20 : memref<10000x128xf32, #tpu.memory_space<hbm>>) target(%arg10 : memref<80x128xf32, #tpu.memory_space<vmem>>) offsets(%arg8 : memref<80xi32, #tpu.memory_space<vmem>>) semaphore(%arg11 : memref<!tpu.dma_semaphore, #tpu.memory_space<semaphore_mem>>)
      %dma_wait3A = arith.constant 0 : i32
      %dma_wait3A_21 = arith.constant 0 : i32
      %dma_wait3A_22 = tpu.memref_slice %arg2[%dma_wait3A, %dma_wait3A_21] : memref<10000x128xf32, #tpu.memory_space<hbm>> -> memref<10000x128xf32, #tpu.memory_space<hbm>>
      tpu.wait_indirect_dma semaphore(%arg11 : memref<!tpu.dma_semaphore, #tpu.memory_space<semaphore_mem>>) src(%dma_wait3A_22 : memref<10000x128xf32, #tpu.memory_space<hbm>>) dst(%arg10 : memref<80x128xf32, #tpu.memory_space<vmem>>)
      "tpu.region"() ({
        %run_scoped3A = tpu.sem_alloc : memref<!tpu.dma_semaphore, #tpu.memory_space<semaphore_mem>>
        %dma_start3A_23 = arith.constant 0 : i32
        %dma_start3A_24 = arith.constant 0 : i32
        %dma_start3A_25 = tpu.memref_slice %arg7[%dma_start3A_23, %dma_start3A_24] : memref<10112x128xf32, #tpu.memory_space<vmem_shared>> -> memref<10112x128xf32, #tpu.memory_space<vmem_shared>>
        tpu.enqueue_indirect_dma source(%arg10 : memref<80x128xf32, #tpu.memory_space<vmem>>) target(%dma_start3A_25 : memref<10112x128xf32, #tpu.memory_space<vmem_shared>>) offsets(%arg9 : memref<80xi32, #tpu.memory_space<vmem>>) semaphore(%run_scoped3A : memref<!tpu.dma_semaphore, #tpu.memory_space<semaphore_mem>>) {add = true}
        %dma_wait3A_26 = arith.constant 0 : i32
        %dma_wait3A_27 = arith.constant 0 : i32
        %dma_wait3A_28 = tpu.memref_slice %arg7[%dma_wait3A_26, %dma_wait3A_27] : memref<10112x128xf32, #tpu.memory_space<vmem_shared>> -> memref<10112x128xf32, #tpu.memory_space<vmem_shared>>
        tpu.wait_indirect_dma semaphore(%run_scoped3A : memref<!tpu.dma_semaphore, #tpu.memory_space<semaphore_mem>>) src(%arg10 : memref<80x128xf32, #tpu.memory_space<vmem>>) dst(%dma_wait3A_28 : memref<10112x128xf32, #tpu.memory_space<vmem_shared>>)
        tpu.yield
      }) : () -> ()
    }
    %scan3A_9 = arith.constant 128 : i32
    %barrier3A_10 = arith.constant 0 : index
    tpu.barrier barrier_id(%barrier3A_10)
    %mul3A_11 = arith.constant 632 : i32
    %mul3A_12 = arith.muli %arg1, %mul3A_11 : i32
    %mul3A_13 = arith.constant 632 : i32
    %mul3A_14 = arith.muli %arg1, %mul3A_13 : i32
    "tpu.region"() ({
      %run_scoped3A = tpu.sem_alloc : memref<!tpu.dma_semaphore, #tpu.memory_space<semaphore_mem>>
      %dma_start3A = arith.constant 0 : i32
      %dma_start3A_15 = tpu.memref_slice %arg6[%arg0, %mul3A_14, %dma_start3A] : memref<2x10112x128xf32, #tpu.memory_space<hbm>> -> memref<1x632x128xf32, #tpu.memory_space<hbm>>
      %dma_start3A_16 = tpu.memref_squeeze %dma_start3A_15 : memref<1x632x128xf32, #tpu.memory_space<hbm>> -> memref<632x128xf32, #tpu.memory_space<hbm>>
      %dma_start3A_17 = arith.constant 0 : i32
      %dma_start3A_18 = tpu.memref_slice %arg7[%mul3A_12, %dma_start3A_17] : memref<10112x128xf32, #tpu.memory_space<vmem_shared>> -> memref<632x128xf32, #tpu.memory_space<vmem_shared>>
      tpu.enqueue_dma source(%dma_start3A_18 : memref<632x128xf32, #tpu.memory_space<vmem_shared>>) target(%dma_start3A_16 : memref<632x128xf32, #tpu.memory_space<hbm>>) target_semaphore(%run_scoped3A : memref<!tpu.dma_semaphore, #tpu.memory_space<semaphore_mem>>)
      %dma_wait3A = arith.constant 0 : i32
      %dma_wait3A_19 = tpu.memref_slice %arg6[%arg0, %mul3A_14, %dma_wait3A] : memref<2x10112x128xf32, #tpu.memory_space<hbm>> -> memref<1x632x128xf32, #tpu.memory_space<hbm>>
      %dma_wait3A_20 = tpu.memref_squeeze %dma_wait3A_19 : memref<1x632x128xf32, #tpu.memory_space<hbm>> -> memref<632x128xf32, #tpu.memory_space<hbm>>
      %dma_wait3A_21 = arith.constant 0 : i32
      %dma_wait3A_22 = tpu.memref_slice %arg7[%mul3A_12, %dma_wait3A_21] : memref<10112x128xf32, #tpu.memory_space<vmem_shared>> -> memref<632x128xf32, #tpu.memory_space<vmem_shared>>
      tpu.wait_dma2 semaphore(%run_scoped3A : memref<!tpu.dma_semaphore, #tpu.memory_space<semaphore_mem>>) src(%dma_wait3A_22 : memref<632x128xf32, #tpu.memory_space<vmem_shared>>) dst(%dma_wait3A_20 : memref<632x128xf32, #tpu.memory_space<hbm>>)
      tpu.yield
    }) : () -> ()
    return
  }
}

module attributes {stable_mosaic.version = 14 : i64} {
  func.func @body(%arg0: i32, %arg1: memref<2x1000x128xf32, #tpu.memory_space<vmem>>, %arg2: memref<1000x128xf32, #tpu.memory_space<vmem>>, %arg3: memref<1000x1xf32, #tpu.memory_space<vmem>>, %arg4: memref<1x128xf32, #tpu.memory_space<vmem>>, %arg5: memref<128x128xf32, #tpu.memory_space<vmem>>, %arg6: memref<1000x128xf32, #tpu.memory_space<vmem>>) attributes {dimension_semantics = [#tpu.dimension_semantics<arbitrary>], iteration_bounds = array<i64: 10>, scalar_prefetch = 0 : i64, scratch_operands = 0 : i64, tpu.core_type = #tpu.core_type<tc>, window_params = [{transform_indices = @transform_0, window_bounds = array<i64: 2, 1000, 128>}, {transform_indices = @transform_1, window_bounds = array<i64: 1000, 128>}, {transform_indices = @transform_2, window_bounds = array<i64: 1000, 1>}, {pipeline_mode = #tpu.pipeline_mode<synchronous>, transform_indices = @transform_3, window_bounds = array<i64: 1, 128>}, {pipeline_mode = #tpu.pipeline_mode<synchronous>, transform_indices = @transform_4, window_bounds = array<i64: 128, 128>}, {transform_indices = @transform_5, window_bounds = array<i64: 1000, 128>}]} {
    %get3A = arith.constant 0 : index
    %get3A_0 = arith.constant 0 : index
    %get3A_1 = arith.constant 0 : index
    %get3A_2 = vector.load %arg1[%get3A, %get3A_0, %get3A_1] : memref<2x1000x128xf32, #tpu.memory_space<vmem>>, vector<2x1000x128xf32>
    %get3A_3 = arith.constant 0 : index
    %get3A_4 = arith.constant 0 : index
    %get3A_5 = vector.load %arg3[%get3A_3, %get3A_4] : memref<1000x1xf32, #tpu.memory_space<vmem>>, vector<1000x1xf32>
    %slice3A = vector.extract_strided_slice %get3A_2 {offsets = [0, 0, 0], sizes = [1, 1000, 128], strides = [1, 1, 1]} : vector<2x1000x128xf32> to vector<1x1000x128xf32>
    %squeeze3A = vector.shape_cast %slice3A : vector<1x1000x128xf32> to vector<1000x128xf32>
    %slice3A_6 = vector.extract_strided_slice %get3A_2 {offsets = [1, 0, 0], sizes = [1, 1000, 128], strides = [1, 1, 1]} : vector<2x1000x128xf32> to vector<1x1000x128xf32>
    %squeeze3A_7 = vector.shape_cast %slice3A_6 : vector<1x1000x128xf32> to vector<1000x128xf32>
    %add3A = arith.addf %squeeze3A, %squeeze3A_7 : vector<1000x128xf32>
    %get3A_8 = arith.constant 0 : index
    %get3A_9 = arith.constant 0 : index
    %get3A_10 = vector.load %arg2[%get3A_8, %get3A_9] : memref<1000x128xf32, #tpu.memory_space<vmem>>, vector<1000x128xf32>
    %add3A_11 = arith.addf %add3A, %get3A_10 : vector<1000x128xf32>
    %mul3A = vector.broadcast %get3A_5 : vector<1000x1xf32> to vector<1000x128xf32>
    %mul3A_12 = arith.mulf %add3A_11, %mul3A : vector<1000x128xf32>
    %get3A_13 = arith.constant 0 : index
    %get3A_14 = arith.constant 0 : index
    %get3A_15 = vector.load %arg4[%get3A_13, %get3A_14] : memref<1x128xf32, #tpu.memory_space<vmem>>, vector<1x128xf32>
    %add3A_16 = vector.broadcast %get3A_15 : vector<1x128xf32> to vector<1000x128xf32>
    %add3A_17 = arith.addf %mul3A_12, %add3A_16 : vector<1000x128xf32>
    %integer_pow3A = arith.mulf %add3A_17, %add3A_17 : vector<1000x128xf32>
    %integer_pow3A_18 = arith.mulf %add3A_17, %integer_pow3A : vector<1000x128xf32>
    %mul3A_19 = arith.constant 4.471500e-02 : f32
    %mul3A_20 = vector.broadcast %mul3A_19 : f32 to vector<1000x128xf32>
    %mul3A_21 = arith.mulf %mul3A_20, %integer_pow3A_18 : vector<1000x128xf32>
    %add3A_22 = arith.addf %add3A_17, %mul3A_21 : vector<1000x128xf32>
    %mul3A_23 = arith.constant 0.797884583 : f32
    %mul3A_24 = vector.broadcast %mul3A_23 : f32 to vector<1000x128xf32>
    %mul3A_25 = arith.mulf %mul3A_24, %add3A_22 : vector<1000x128xf32>
    %tanh3A = math.tanh %mul3A_25 : vector<1000x128xf32>
    %add3A_26 = arith.constant 1.000000e+00 : f32
    %add3A_27 = vector.broadcast %add3A_26 : f32 to vector<1000x128xf32>
    %add3A_28 = arith.addf %add3A_27, %tanh3A : vector<1000x128xf32>
    %mul3A_29 = arith.constant 5.000000e-01 : f32
    %mul3A_30 = vector.broadcast %mul3A_29 : f32 to vector<1000x128xf32>
    %mul3A_31 = arith.mulf %mul3A_30, %add3A_28 : vector<1000x128xf32>
    %mul3A_32 = arith.mulf %add3A_17, %mul3A_31 : vector<1000x128xf32>
    %get3A_33 = arith.constant 0 : index
    %get3A_34 = arith.constant 0 : index
    %get3A_35 = vector.load %arg5[%get3A_33, %get3A_34] : memref<128x128xf32, #tpu.memory_space<vmem>>, vector<128x128xf32>
    %dot_general3A = arith.constant dense<0.000000e+00> : vector<1000x128xf32>
    %dot_general3A_36 = tpu.matmul %mul3A_32, %get3A_35, %dot_general3A {dimension_numbers = #tpu.dot_dimension_numbers<[1], [0], [0], [1], [0, 0, 1, 1], [], []>, transpose_lhs_hint = false} : vector<1000x128xf32>, vector<128x128xf32>, vector<1000x128xf32> -> vector<1000x128xf32>
    %mul3A_37 = vector.broadcast %get3A_5 : vector<1000x1xf32> to vector<1000x128xf32>
    %mul3A_38 = arith.mulf %dot_general3A_36, %mul3A_37 : vector<1000x128xf32>
    %swap3A = arith.constant 0 : index
    %swap3A_39 = arith.constant 0 : index
    %swap3A_40 = vector.load %arg6[%swap3A, %swap3A_39] : memref<1000x128xf32, #tpu.memory_space<vmem>>, vector<1000x128xf32>
    tpu.vector_store %arg6[%swap3A, %swap3A_39], %mul3A_38 {strides = array<i32>} : memref<1000x128xf32, #tpu.memory_space<vmem>>, vector<1000x128xf32>,
    return
  }
  func.func @transform_0(%arg0: i32) -> (i32, i32, i32) {
    %c0_i32 = arith.constant 0 : i32
    %c0_i32_0 = arith.constant 0 : i32
    %c0_i32_1 = arith.constant 0 : i32
    return %c0_i32, %arg0, %c0_i32_0 : i32, i32, i32
  }
  func.func @transform_1(%arg0: i32) -> (i32, i32) {
    %c0_i32 = arith.constant 0 : i32
    %c0_i32_0 = arith.constant 0 : i32
    return %arg0, %c0_i32 : i32, i32
  }
  func.func @transform_2(%arg0: i32) -> (i32, i32) {
    %c0_i32 = arith.constant 0 : i32
    %c0_i32_0 = arith.constant 0 : i32
    return %arg0, %c0_i32 : i32, i32
  }
  func.func @transform_3(%arg0: i32) -> (i32, i32) {
    %c0_i32 = arith.constant 0 : i32
    %c0_i32_0 = arith.constant 0 : i32
    %c0_i32_1 = arith.constant 0 : i32
    return %c0_i32, %c0_i32_0 : i32, i32
  }
  func.func @transform_4(%arg0: i32) -> (i32, i32) {
    %c0_i32 = arith.constant 0 : i32
    %c0_i32_0 = arith.constant 0 : i32
    %c0_i32_1 = arith.constant 0 : i32
    return %c0_i32, %c0_i32_0 : i32, i32
  }
  func.func @transform_5(%arg0: i32) -> (i32, i32) {
    %c0_i32 = arith.constant 0 : i32
    %c0_i32_0 = arith.constant 0 : i32
    return %arg0, %c0_i32 : i32, i32
  }
}

module attributes {stable_mosaic.version = 14 : i64} {
  func.func @body(%arg0: i32, %arg1: memref<2x1000x128xf32, #tpu.memory_space<vmem>>, %arg2: memref<1000x128xf32, #tpu.memory_space<vmem>>, %arg3: memref<128x128xf32, #tpu.memory_space<vmem>>, %arg4: memref<1000x128xf32, #tpu.memory_space<vmem>>, %arg5: memref<1000x1xf32, #tpu.memory_space<vmem>>) attributes {dimension_semantics = [#tpu.dimension_semantics<arbitrary>], iteration_bounds = array<i64: 10>, scalar_prefetch = 0 : i64, scratch_operands = 0 : i64, tpu.core_type = #tpu.core_type<tc>, window_params = [{transform_indices = @transform_0, window_bounds = array<i64: 2, 1000, 128>}, {transform_indices = @transform_1, window_bounds = array<i64: 1000, 128>}, {pipeline_mode = #tpu.pipeline_mode<synchronous>, transform_indices = @transform_2, window_bounds = array<i64: 128, 128>}, {transform_indices = @transform_3, window_bounds = array<i64: 1000, 128>}, {transform_indices = @transform_4, window_bounds = array<i64: 1000, 1>}]} {
    %get3A = arith.constant 0 : index
    %get3A_0 = arith.constant 0 : index
    %get3A_1 = arith.constant 0 : index
    %get3A_2 = vector.load %arg1[%get3A, %get3A_0, %get3A_1] : memref<2x1000x128xf32, #tpu.memory_space<vmem>>, vector<2x1000x128xf32>
    %slice3A = vector.extract_strided_slice %get3A_2 {offsets = [0, 0, 0], sizes = [1, 1000, 1], strides = [1, 1, 1]} : vector<2x1000x128xf32> to vector<1x1000x1xf32>
    %squeeze3A = vector.shape_cast %slice3A : vector<1x1000x1xf32> to vector<1000x1xf32>
    %add3A = arith.constant 1.000000e+00 : f32
    %add3A_3 = vector.broadcast %add3A : f32 to vector<1000x1xf32>
    %add3A_4 = arith.addf %add3A_3, %squeeze3A : vector<1000x1xf32>
    %slice3A_5 = vector.extract_strided_slice %get3A_2 {offsets = [1, 0, 0], sizes = [1, 1000, 1], strides = [1, 1, 1]} : vector<2x1000x128xf32> to vector<1x1000x1xf32>
    %squeeze3A_6 = vector.shape_cast %slice3A_5 : vector<1x1000x1xf32> to vector<1000x1xf32>
    %add3A_7 = arith.addf %add3A_4, %squeeze3A_6 : vector<1000x1xf32>
    %rsqrt3A = math.rsqrt %add3A_7 : vector<1000x1xf32>
    %get3A_8 = arith.constant 0 : index
    %get3A_9 = arith.constant 0 : index
    %get3A_10 = vector.load %arg2[%get3A_8, %get3A_9] : memref<1000x128xf32, #tpu.memory_space<vmem>>, vector<1000x128xf32>
    %get3A_11 = arith.constant 0 : index
    %get3A_12 = arith.constant 0 : index
    %get3A_13 = vector.load %arg3[%get3A_11, %get3A_12] : memref<128x128xf32, #tpu.memory_space<vmem>>, vector<128x128xf32>
    %dot_general3A = arith.constant dense<0.000000e+00> : vector<1000x128xf32>
    %dot_general3A_14 = tpu.matmul %get3A_10, %get3A_13, %dot_general3A {dimension_numbers = #tpu.dot_dimension_numbers<[1], [0], [0], [1], [0, 0, 1, 1], [], []>, transpose_lhs_hint = false} : vector<1000x128xf32>, vector<128x128xf32>, vector<1000x128xf32> -> vector<1000x128xf32>
    %mul3A = vector.broadcast %rsqrt3A : vector<1000x1xf32> to vector<1000x128xf32>
    %mul3A_15 = arith.mulf %dot_general3A_14, %mul3A : vector<1000x128xf32>
    %swap3A = arith.constant 0 : index
    %swap3A_16 = arith.constant 0 : index
    %swap3A_17 = vector.load %arg4[%swap3A, %swap3A_16] : memref<1000x128xf32, #tpu.memory_space<vmem>>, vector<1000x128xf32>
    tpu.vector_store %arg4[%swap3A, %swap3A_16], %mul3A_15 {strides = array<i32>} : memref<1000x128xf32, #tpu.memory_space<vmem>>, vector<1000x128xf32>,
    %swap3A_18 = arith.constant 0 : index
    %swap3A_19 = arith.constant 0 : index
    %swap3A_20 = vector.load %arg5[%swap3A_18, %swap3A_19] : memref<1000x1xf32, #tpu.memory_space<vmem>>, vector<1000x1xf32>
    tpu.vector_store %arg5[%swap3A_18, %swap3A_19], %rsqrt3A {strides = array<i32>} : memref<1000x1xf32, #tpu.memory_space<vmem>>, vector<1000x1xf32>,
    return
  }
  func.func @transform_0(%arg0: i32) -> (i32, i32, i32) {
    %c0_i32 = arith.constant 0 : i32
    %c0_i32_0 = arith.constant 0 : i32
    %c0_i32_1 = arith.constant 0 : i32
    return %c0_i32, %arg0, %c0_i32_0 : i32, i32, i32
  }
  func.func @transform_1(%arg0: i32) -> (i32, i32) {
    %c0_i32 = arith.constant 0 : i32
    %c0_i32_0 = arith.constant 0 : i32
    return %arg0, %c0_i32 : i32, i32
  }
  func.func @transform_2(%arg0: i32) -> (i32, i32) {
    %c0_i32 = arith.constant 0 : i32
    %c0_i32_0 = arith.constant 0 : i32
    %c0_i32_1 = arith.constant 0 : i32
    return %c0_i32, %c0_i32_0 : i32, i32
  }
  func.func @transform_3(%arg0: i32) -> (i32, i32) {
    %c0_i32 = arith.constant 0 : i32
    %c0_i32_0 = arith.constant 0 : i32
    return %arg0, %c0_i32 : i32, i32
  }
  func.func @transform_4(%arg0: i32) -> (i32, i32) {
    %c0_i32 = arith.constant 0 : i32
    %c0_i32_0 = arith.constant 0 : i32
    return %arg0, %c0_i32 : i32, i32
  }
}

module attributes {stable_mosaic.version = 14 : i64} {
  func.func @body(%arg0: i32, %arg1: memref<2x1000x128xf32, #tpu.memory_space<vmem>>, %arg2: memref<1000x128xf32, #tpu.memory_space<vmem>>, %arg3: memref<1000x1xf32, #tpu.memory_space<vmem>>, %arg4: memref<1x128xf32, #tpu.memory_space<vmem>>, %arg5: memref<1000x128xf32, #tpu.memory_space<vmem>>) attributes {dimension_semantics = [#tpu.dimension_semantics<arbitrary>], iteration_bounds = array<i64: 10>, scalar_prefetch = 0 : i64, scratch_operands = 0 : i64, tpu.core_type = #tpu.core_type<tc>, window_params = [{transform_indices = @transform_0, window_bounds = array<i64: 2, 1000, 128>}, {transform_indices = @transform_1, window_bounds = array<i64: 1000, 128>}, {transform_indices = @transform_2, window_bounds = array<i64: 1000, 1>}, {pipeline_mode = #tpu.pipeline_mode<synchronous>, transform_indices = @transform_3, window_bounds = array<i64: 1, 128>}, {transform_indices = @transform_4, window_bounds = array<i64: 1000, 128>}]} {
    %get3A = arith.constant 0 : index
    %get3A_0 = arith.constant 0 : index
    %get3A_1 = arith.constant 0 : index
    %get3A_2 = vector.load %arg1[%get3A, %get3A_0, %get3A_1] : memref<2x1000x128xf32, #tpu.memory_space<vmem>>, vector<2x1000x128xf32>
    %slice3A = vector.extract_strided_slice %get3A_2 {offsets = [0, 0, 0], sizes = [1, 1000, 128], strides = [1, 1, 1]} : vector<2x1000x128xf32> to vector<1x1000x128xf32>
    %squeeze3A = vector.shape_cast %slice3A : vector<1x1000x128xf32> to vector<1000x128xf32>
    %slice3A_3 = vector.extract_strided_slice %get3A_2 {offsets = [1, 0, 0], sizes = [1, 1000, 128], strides = [1, 1, 1]} : vector<2x1000x128xf32> to vector<1x1000x128xf32>
    %squeeze3A_4 = vector.shape_cast %slice3A_3 : vector<1x1000x128xf32> to vector<1000x128xf32>
    %add3A = arith.addf %squeeze3A, %squeeze3A_4 : vector<1000x128xf32>
    %get3A_5 = arith.constant 0 : index
    %get3A_6 = arith.constant 0 : index
    %get3A_7 = vector.load %arg2[%get3A_5, %get3A_6] : memref<1000x128xf32, #tpu.memory_space<vmem>>, vector<1000x128xf32>
    %add3A_8 = arith.addf %add3A, %get3A_7 : vector<1000x128xf32>
    %get3A_9 = arith.constant 0 : index
    %get3A_10 = arith.constant 0 : index
    %get3A_11 = vector.load %arg3[%get3A_9, %get3A_10] : memref<1000x1xf32, #tpu.memory_space<vmem>>, vector<1000x1xf32>
    %mul3A = vector.broadcast %get3A_11 : vector<1000x1xf32> to vector<1000x128xf32>
    %mul3A_12 = arith.mulf %add3A_8, %mul3A : vector<1000x128xf32>
    %get3A_13 = arith.constant 0 : index
    %get3A_14 = arith.constant 0 : index
    %get3A_15 = vector.load %arg4[%get3A_13, %get3A_14] : memref<1x128xf32, #tpu.memory_space<vmem>>, vector<1x128xf32>
    %add3A_16 = vector.broadcast %get3A_15 : vector<1x128xf32> to vector<1000x128xf32>
    %add3A_17 = arith.addf %mul3A_12, %add3A_16 : vector<1000x128xf32>
    %swap3A = arith.constant 0 : index
    %swap3A_18 = arith.constant 0 : index
    %swap3A_19 = vector.load %arg5[%swap3A, %swap3A_18] : memref<1000x128xf32, #tpu.memory_space<vmem>>, vector<1000x128xf32>
    tpu.vector_store %arg5[%swap3A, %swap3A_18], %add3A_17 {strides = array<i32>} : memref<1000x128xf32, #tpu.memory_space<vmem>>, vector<1000x128xf32>,
    return
  }
  func.func @transform_0(%arg0: i32) -> (i32, i32, i32) {
    %c0_i32 = arith.constant 0 : i32
    %c0_i32_0 = arith.constant 0 : i32
    %c0_i32_1 = arith.constant 0 : i32
    return %c0_i32, %arg0, %c0_i32_0 : i32, i32, i32
  }
  func.func @transform_1(%arg0: i32) -> (i32, i32) {
    %c0_i32 = arith.constant 0 : i32
    %c0_i32_0 = arith.constant 0 : i32
    return %arg0, %c0_i32 : i32, i32
  }
  func.func @transform_2(%arg0: i32) -> (i32, i32) {
    %c0_i32 = arith.constant 0 : i32
    %c0_i32_0 = arith.constant 0 : i32
    return %arg0, %c0_i32 : i32, i32
  }
  func.func @transform_3(%arg0: i32) -> (i32, i32) {
    %c0_i32 = arith.constant 0 : i32
    %c0_i32_0 = arith.constant 0 : i32
    %c0_i32_1 = arith.constant 0 : i32
    return %c0_i32, %c0_i32_0 : i32, i32
  }
  func.func @transform_4(%arg0: i32) -> (i32, i32) {
    %c0_i32 = arith.constant 0 : i32
    %c0_i32_0 = arith.constant 0 : i32
    return %arg0, %c0_i32 : i32, i32
  }
}

</mosaic_0001>

<sc_bundles>
// kernel: kernel.11.cloned.1.call-start
scs
__scs_entry_jumppad:
0x0: {  	(pc) =	sbr.rel $0x88, $3  }
0x1: {  	(tag) =	ssettag $0x0;
	lr =	simm.s32 $0x1  }
0x2: {  	[smem:$0x3F9B] =	sst lr;
	_ =	strace $0xD0000000  }
0x3: {  	_ = 	snop  }
0x4: {  	_ = 	snop  }
0x5: {  	_ = 	snop  }
0x6: {  	_ = 	snop  }
0x7: {  	_ = 	snop  }
__scs_overlays_trampoline_lowered:
0x8: {  	[smem:$0x3FAA] =	sst s0  }
0x9: {  	[smem:$0x3FAB] =	sst s1  }
0xa: {  	[smem:$0x3FAC] =	sst s2  }
0xb: {  	[smem:$0x3FAD] =	sst s3  }
0xc: {  	[smem:$0x3FAE] =	sst s4  }
0xd: {  	[smem:$0x3FAF] =	sst s5  }
0xe: {  	[smem:$0x3FB0] =	sst s6  }
0xf: {  	[smem:$0x3FB1] =	sst s7  }
0x10: {  	[smem:$0x3FB2] =	sst s8  }
0x11: {  	[smem:$0x3FB3] =	sst s9;
	s0 =	simm.s32 @!p0 $0x0  }
0x12: {  	s1 =	sld [smem:$0x3F99];
	s0 =	simm.s32 @p0 $0x1  }
0x13: {  	[smem:$0x3FB4] =	sst s0;
	s0 =	simm.s32 @!p1 $0x0  }
0x14: {  	s2 =	sld [smem:$0x3F98];
	s0 =	simm.s32 @p1 $0x1  }
0x15: {  	[smem:$0x3FB5] =	sst s0;
	s0 =	simm.s32 @!p2 $0x0  }
0x16: {  	s3 =	sld [smem:$0x3FDB];
	s0 =	simm.s32 @p2 $0x1  }
0x17: {  	s4 =	simm.s32 $0x1BF5;
	[smem:$0x3FB7] =	sst s0  }
0x18: {  	s0 =	sld [smem:$0x3F9A];
	_ =	swait.ge [sflag:s4], $0x0  }
0x19: {  	s7 =	sld [smem:$0x3F9B]  }
0x1a: {  	s8 =	sadd.s32 $0xFFFFE003, lr  }
0x1b: {  	s9 =	sadd.s32 $0xFFFFFEF7, lr;
	s5 =	simm.s32 $0xFFFFFFFF;
	p2 =	slt.u32 s8, $0xFFFFF086  }
0x1c: {  	p1 =	slt.u32 s9, $0xF7A;
	s5 =	simm.s32 @!p2 $0x0  }
0x1d: {  	s5 =	simm.s32 @p1 $0x1;
	p0 =	seq.s32 s7, s2  }
0x1e: {  	s7 =	smul.u32 @!p0 $0xF7A, s2;
	p2 =	seq.s32 @!p0 s5, $0x0  }
0x1f: {  	s9 =	smul.u32 $0xF7A, s1;
	s8 =	simm.s32 @!p0 $0x1BF5;
	p2 =	por !p2, p0  }
0x20: {  	[sflag:s8] =	ssyncset.s32 @!p0 $0xFFFFF086;
	s6 =	sadd.s32 @!p0 s3, s7;
	s7 =	simm.s32 @!p0 $0x108  }
0x21: {  	s3 =	sadd.s32 s3, s9;
	s6 =	sadd.s32 @!p0 $0x88, s6;
	s7 =	simm.s32 @p2 $0x1082  }
0x22: {  	[simem:s7], [sflag:s8] =	dma.local @!p0 [hbm:s6], $0xF7A  }
0x23: {  	s9 =	sor.u32 $0xD0000000, s2;
	s6 =	simm.s32 $0x108;
	_ =	swait.ge @!p0 [sflag:s8], $0x0  }
0x24: {  	s3 =	sadd.s32 $0x88, s3;
	s6 =	simm.s32 @!p1 $0x1082;
	[sflag:s4] =	ssyncset.s32 $0xFFFFF086  }
0x25: {  	[simem:s6], [sflag:s4] =	dma.local [hbm:s3], $0xF7A  }
0x26: {  	[smem:$0x3F9B] =	sst s1;
	(tag) =	ssettag s2;
	_ =	strace s9  }
0x27: {  	s1 =	sld [smem:$0x3FAB]  }
0x28: {  	s2 =	sld [smem:$0x3FAC]  }
0x29: {  	s4 =	sld [smem:$0x3FAE]  }
0x2a: {  	p0 =	seq.s32 s5, $0x0;
	s5 =	sld [smem:$0x3FAF]  }
0x2b: {  	s6 =	sld [smem:$0x3FB0]  }
0x2c: {  	s7 =	sld [smem:$0x3FB1]  }
0x2d: {  	s3 =	simm.s32 $0x108;
	s8 =	sld [smem:$0x3FB2]  }
0x2e: {  	s3 =	simm.s32 @!p0 $0x1082;
	s9 =	sld [smem:$0x3FB3]  }
0x2f: {  	lr =	sadd.s32 s0, s3;
	s0 =	sld [smem:$0x3FAA]  }
0x30: {  	s3 =	sld [smem:$0x3FAD]  }
0x31: {  	[smem:$0x3FB6] =	sst s10  }
0x32: {  	s10 =	sld [smem:$0x3FB4];
	_ =	sdelay $0x3  }
0x33: {  	p0 =	seq.s32 s10, $0x1;
	s10 =	sld [smem:$0x3FB6];
	_ =	sdelay $0x3  }
0x34: {  	[smem:$0x3FB6] =	sst s10  }
0x35: {  	s10 =	sld [smem:$0x3FB5];
	_ =	sdelay $0x3  }
0x36: {  	p1 =	seq.s32 s10, $0x1;
	s10 =	sld [smem:$0x3FB6];
	_ =	sdelay $0x3  }
0x37: {  	[smem:$0x3FB6] =	sst s10  }
0x38: {  	s10 =	sld [smem:$0x3FB7]  }
0x39: {  	_ = 	snop;
	(pc) =	sbr.ind lr, $3  }
0x3a: {  	_ = 	snop  }
0x3b: {  	_ = 	snop  }
0x3c: {  	p2 =	seq.s32 s10, $0x1;
	s10 =	sld [smem:$0x3FB6]  }
0x3d: {  	_ =	shalt  }
0x3e: {  	_ =	shalt  }
0x3f: {  	_ =	shalt  }
0x40: {  	_ =	shalt  }
0x41: {  	_ =	shalt  }
0x42: {  	_ =	shalt  }
0x43: {  	_ =	shalt  }
0x44: {  	_ =	shalt  }
0x45: {  	_ =	shalt  }
0x46: {  	_ =	shalt  }
0x47: {  	_ =	shalt  }
0x48: {  	_ =	shalt  }
0x49: {  	_ =	shalt  }
0x4a: {  	_ =	shalt  }
0x4b: {  	_ =	shalt  }
0x4c: {  	_ =	shalt  }
0x4d: {  	_ =	shalt  }
0x4e: {  	_ =	shalt  }
0x4f: {  	_ =	shalt  }
0x50: {  	_ =	shalt  }
0x51: {  	_ =	shalt  }
0x52: {  	_ =	shalt  }
0x53: {  	_ =	shalt  }
0x54: {  	_ =	shalt  }
0x55: {  	_ =	shalt  }
0x56: {  	_ =	shalt  }
0x57: {  	_ =	shalt  }
0x58: {  	_ =	shalt  }
0x59: {  	_ =	shalt  }
0x5a: {  	_ =	shalt  }
0x5b: {  	_ =	shalt  }
0x5c: {  	_ =	shalt  }
0x5d: {  	_ =	shalt  }
0x5e: {  	_ =	shalt  }
0x5f: {  	_ =	shalt  }
0x60: {  	_ =	shalt  }
0x61: {  	_ =	shalt  }
0x62: {  	_ =	shalt  }
0x63: {  	_ =	shalt  }
0x64: {  	_ =	shalt  }
0x65: {  	_ =	shalt  }
0x66: {  	_ =	shalt  }
0x67: {  	_ =	shalt  }
0x68: {  	_ =	shalt  }
0x69: {  	_ =	shalt  }
0x6a: {  	_ =	shalt  }
0x6b: {  	_ =	shalt  }
0x6c: {  	_ =	shalt  }
0x6d: {  	_ =	shalt  }
0x6e: {  	_ =	shalt  }
0x6f: {  	_ =	shalt  }
0x70: {  	_ =	shalt  }
0x71: {  	_ =	shalt  }
0x72: {  	_ =	shalt  }
0x73: {  	_ =	shalt  }
0x74: {  	_ =	shalt  }
0x75: {  	_ =	shalt  }
0x76: {  	_ =	shalt  }
0x77: {  	_ =	shalt  }
0x78: {  	_ =	shalt  }
0x79: {  	_ =	shalt  }
0x7a: {  	_ =	shalt  }
0x7b: {  	_ =	shalt  }
0x7c: {  	_ =	shalt  }
0x7d: {  	_ =	shalt  }
0x7e: {  	_ =	shalt  }
0x7f: {  	_ =	shalt  }
0x80: {  	_ =	shalt  }
0x81: {  	_ =	shalt  }
0x82: {  	_ =	shalt  }
0x83: {  	_ =	shalt  }
0x84: {  	_ =	shalt  }
0x85: {  	_ =	shalt  }
0x86: {  	_ =	shalt  }
0x87: {  	_ =	shalt  }
.Lfunc_end0:
.L_simem_size_0:
called_computation.1_lowered:
.L_overlay_start_0:
0x88: {  	s2 =	sld [smem:$0x3FD9]  }
0x89: {  	s3 =	sld [smem:$0x3FFE];
	_ =	sdelay $0x1  }
0x8a: {  	s1 =	srdreg.scid  }
0x8b: {  	s0 =	sand.u32 $0x1, s1  }
0x8c: {  	s17 =	sshll.u32 s0, $0xA;
	s2 =	sadd.s32 s3, s2  }
0x8d: {  	s2 =	sadd.s32 s2, s17  }
0x8e: {  	[smem:$0x3FC2] =	sst s2  }
0x8f: {  	_ = 	snop  }
0x90: {  	s2 =	sld [smem:$0x3FD0];
	(tm) =	ssettm $0x1  }
0x91: {  	s18 =	sld [smem:$0x3FFB];
	_ =	sdelay $0x3  }
0x92: {  	_ =	strace s18  }
0x93: {  	s3 =	sld [smem:$0x3FFC];
	_ =	sdelay $0x3  }
0x94: {  	_ =	strace s3  }
0x95: {  	s3 =	sld [smem:$0x3FFD];
	_ =	sdelay $0x3  }
0x96: {  	_ =	strace s3  }
0x97: {  	_ =	strace $0x8FFFFFFF  }
0x98: {  	s19 =	sld [smem:$0x3FDB];
	_ =	sdelay $0x1  }
0x99: {  	s4 =	simm.s32 $_scs_section_size  }
0x9a: {  	s5 =	simm.s32 $_size__tile_overlayer_lowered;
	s6 =	simm.s32 $_tile_overlayer_lowered  }
0x9b: {  	s22 =	simm.s32 $0x1BFF;
	s21 =	sshll.u32 s6, $0x1;
	s3 =	sadd.s32 s4, s19  }
0x9c: {  	s7 =	simm.s32 $0x0;
	s20 =	sshll.u32 s5, $0x1;
	s5 =	sadd.s32 s21, s3  }
0x9d: {  	[timem:s7], [sflag:s22] =	dma.local [hbm:s5], s20  }
0x9e: {  	_ =	swait.ge [sflag:s22], s20  }
0x9f: {  	s4 =	ssub.s32 $0x0, s20;
	[sflag:s22] =	ssyncset.done $0x0  }
0xa0: {  	[sflag:s22] =	ssyncadd.s32 s4;
	_ =	sdelay $0x1  }
0xa1: {  	s23 =	simm.s32 $0x1B8B  }
0xa2: {  	_ =	swait.ge [sflag:s23], $0x1  }
0xa3: {  	[sflag:s23] =	ssyncset.done $0x0  }
0xa4: {  	s25 =	simm.s32 $0x1B8E;
	s24 =	sld [smem:$0x3FFE];
	[sflag:s23] =	ssyncadd.s32 $0xFFFFFFFF  }
0xa5: {  	s26 =	simm.s32 $execute0_lowered;
	[smem:$0x3FD2] =	sst s25  }
0xa6: {  	s5 =	sshll.u32 s26, $0x1;
	_ =	strace $0x80000049;
	[dreg:$0x1] =	wrdreg $0xFFFFFFFF  }
0xa7: {  	s28 =	simm.s32 $_size_execute0_lowered;
	s3 =	sadd.s32 s3, s5;
	[dreg:$0x0] =	wrdreg $0x0  }
0xa8: {  	s5 =	sshll.u32 s28, $0x1;
	[dreg:$0x2] =	wrdreg s3  }
0xa9: {  	[dreg:$0x3] =	wrdreg s5  }
0xaa: {  	[dreg:$0x4] =	wrdreg $0xC0  }
0xab: {  	_ =	task [dreg:s7], $0x5FFFF  }
0xac: {  	[dreg:$0x1] =	wrdreg $0xFFFFFFFF  }
0xad: {  	[dreg:$0x0] =	wrdreg $0x60  }
0xae: {  	[dreg:$0x2] =	wrdreg s2  }
0xaf: {  	[dreg:$0x3] =	wrdreg s24  }
0xb0: {  	[dreg:$0x4] =	wrdreg $0x0  }
0xb1: {  	[dreg:$0x5] =	wrdreg $0x9  }
0xb2: {  	_ =	task.clear_ibuf [dreg:s7], $0x6FFFF;
	_ =	strace $0x90000049  }
0xb3: {  	s29 =	simm.s32 $0x9;
	_ =	strace $0x8000004B  }
0xb4: {  	_ =	swait.ge [sflag:s29], $0x1  }
0xb5: {  	[sflag:s29] =	ssyncadd.s32 $0xFFFFFFFF  }
0xb6: {  	_ =	strace $0x9000004B  }
0xb7: {  	_ =	sfence  }
0xb8: {  	s30 =	sld [smem:$0x0];
	_ =	sdelay $0x2  }
0xb9: {  	s31 =	sshll.u32 s1, $0xD;
	s1 =	sshrl.u32 s1, $0x2  }
0xba: {  	s3 =	sand.u32 $0x4000, s31;
	s1 =	sadd.s32 s1, s30  }
0xbb: {  	s0 =	sor.u32 s3, s0;
	s1 =	sshll.u32 s1, $0x11  }
0xbc: {  	s0 =	sor.u32 s1, s0  }
0xbd: {  	s0 =	sadd.s32 $0x8F2B, s0  }
0xbe: {  	[sflag:s0] =	ssyncadd.remote.s32 $0x1  }
0xbf: {  	_ =	sfence.sel $0xFFFF  }
0xc0: {  	[dreg:$0x0] =	wrdreg $0xFFFFFFFF;
	(pc) =	sbr.abs _section_cstart, $3  }
0xc1: {  	[dreg:$0x1] =	wrdreg $0xFFFFFFFF  }
0xc2: {  	_ =	task.clear_ibuf [dreg:s7], $0x2FFFF;
	_ =	strace $0x9FFFFFFF  }
0xc3: {  	(tm) =	ssettm $0x7FFFFFFF  }
tec
execute0_lowered:
.L_overlay_start_1:
0x0: {  	(tag) =	ssettag $0x1  }
0x1: {  	s1 =	rddreg [dreg:$0x0]  }
0x2: {  	s7 =	rddreg [dreg:$0x1]  }
0x3: {  	s3 =	rddreg [dreg:$0x2]  }
0x4: {  	s0 =	srdreg.scid;
	s2 =	rddreg [dreg:$0x3]  }
0x5: {  	s4 =	simm.s32 $0x0;
	s13 =	simm.s32 $0x13C00;
	s6 =	sand.u32 $0x1, s0  }
0x6: {  	s14 =	simm.s32 $0x13C80;
	s0 =	stileid.u32;
	s5 =	smul.u32 $0x28000, s6  }
0x7: {  	s15 =	simm.s32 $0x50;
	s16 =	simm.s32 $0x13D00;
	s8 =	smul.u32 $0x2800, s0  }
0x8: {  	s17 =	simm.s32 $0x1;
	[smem:$0x7FF] =	sst s4;
	s9 =	smul.u32 $0x13C000, s6  }
0x9: {  	s18 =	simm.s32 $0x0;
	s10 =	smul.u32 $0x13C00, s0;
	_ =	strace $0x8000004A  }
0xa: {  	s30 =	smul.u32 $0x4F000, s0;
	s6 =	ssub.s32 $0x2, s6;
	s11 =	sshll.u32 s0, $0x6  }
0xb: {  	s31 =	sshrl.u32 s6, $0x1;
	s5 =	sadd.s32 s8, s5;
	s28 =	sadd.s32 s10, s9  }
0xc: {  	s9 =	sshrl.u32 s30, $0x2;
	s5 =	sshrl.u32 s5, $0x3;
	s8 =	sshrl.u32 s28, $0x3  }
0xd: {  	s12 =	sadd.s32 s9, s3;
	s29 =	sadd.s32 s5, s7;
	s5 =	sadd.s32 $0x16C00, s7  }
0xe: {  	s7 =	sadd.s32 s8, s7;
	s8 =	ssub.s32 s6, s31;
	s6 =	sor.u32 $0x1C02, s11  }
0xf: {  	s11 =	sshrl.u32 s12, $0x3;
	s12 =	simm.s32 $0x2;
	s7 =	sadd.s32 $0x19400, s7  }
0x10: {  	s8 =	smax.u32 s8, $0x1;
	s9 =	sadd.s32 $0x2800, s29;
	s10 =	sadd.s32 $0xCA00, s29  }
.LBB2_1:
0x11: {  	[spmem:s11], [sflag:s6] =	dma.local [hbm:s5], $0x2780  }
0x12: {  	_ =	swait.ge [sflag:s12], $0x2780  }
0x13: {  	[sflag:s12] =	ssyncset.done $0x0  }
0x14: {  	[sflag:s12] =	ssyncadd.s32 $0xFFFFD880  }
0x15: {  	s19 =	sadd.s32 $0x0, s10;
	[bflag:$0x0] =	sbarrier.arrive $0xFFFF  }
0x16: {  	[tilespmem:s13], [sflag:$0x2] =	stream.linear.gather [hbm4b:s19+s4], $0x50, $0x38;
	[tilespmem:$0x16500] =	vst v63  }
0x17: {  	_ =	swait.ge [sflag:s12], $0x50  }
0x18: {  	[sflag:s12] =	ssyncset.done $0x0  }
0x19: {  	s31 =	sadd.s32 $0x0, s9;
	[sflag:s12] =	ssyncadd.s32 $0xFFFFFFB0  }
0x1a: {  	[tilespmem:s14], [sflag:$0x2] =	stream.linear.gather [hbm4b:s31+s4], $0x50, $0x38;
	[tilespmem:$0x16500] =	vst v63  }
0x1b: {  	_ =	swait.ge [sflag:s12], $0x50  }
0x1c: {  	[sflag:s12] =	ssyncset.done $0x0  }
0x1d: {  	[sflag:s12] =	ssyncadd.s32 $0xFFFFFFB0  }
0x1e: {  	[tilespmem:s16], [sflag:$0x1] =	stream.indirect.gather [hbm4b:s1+s15], $0x80, s13, s15, $0xb8;
	[tilespmem:$0x16500] =	vst v63  }
0x1f: {  	_ =	swait.ge [sflag:s17], $0x2800  }
0x20: {  	[sflag:s17] =	ssyncset.done $0x0  }
0x21: {  	[sflag:s17] =	ssyncadd.s32 $0xFFFFD800  }
0x22: {  	[spmem:s3] =	stream.indirect.scatter.add.f32 [tilespmem:s16], [sflag:$0x2], $0x80, s14, s15, $0xb8;
	[tilespmem:$0x16500] =	vst v63  }
0x23: {  	_ =	swait.ge [sflag:s12], $0x2800  }
0x24: {  	s20 =	simm.s32 $0x14;
	s19 =	simm.s32 $0xA;
	[sflag:s12] =	ssyncset.done $0x0  }
.LBB2_2:
0x25: {  	s21 =	sadd.s32 s19, s10  }
0x26: {  	[sflag:s12] =	ssyncadd.s32 $0xFFFFD800;
	s22 =	smov.u32 s20;
	s23 =	sadd.s32 $0xA, s20  }
0x27: {  	[tilespmem:s13], [sflag:$0x2] =	stream.linear.gather [hbm4b:s21+s4], $0x50, $0x38;
	[tilespmem:$0x16500] =	vst v63  }
0x28: {  	p0 =	sne.s32 s20, $0x4F6;
	_ =	swait.ge [sflag:s12], $0x50  }
0x29: {  	[sflag:s12] =	ssyncset.done $0x0  }
0x2a: {  	s20 =	sadd.s32 s19, s9;
	s19 =	smov.u32 s22;
	[sflag:s12] =	ssyncadd.s32 $0xFFFFFFB0  }
0x2b: {  	[tilespmem:s14], [sflag:$0x2] =	stream.linear.gather [hbm4b:s20+s4], $0x50, $0x38;
	[tilespmem:$0x16500] =	vst v63  }
0x2c: {  	_ =	swait.ge [sflag:s12], $0x50  }
0x2d: {  	[sflag:s12] =	ssyncset.done $0x0  }
0x2e: {  	[sflag:s12] =	ssyncadd.s32 $0xFFFFFFB0  }
0x2f: {  	[tilespmem:s16], [sflag:$0x1] =	stream.indirect.gather [hbm4b:s1+s15], $0x80, s13, s15, $0xb8;
	[tilespmem:$0x16500] =	vst v63  }
0x30: {  	_ =	swait.ge [sflag:s17], $0x2800  }
.Ltmp0:
0x31: {  	[sflag:s17] =	ssyncset.done $0x0;
	(pc) =	sbr.rel @p0 .LBB2_2-.Ltmp0, $4  }
0x32: {  	[sflag:s17] =	ssyncadd.s32 $0xFFFFD800  }
0x33: {  	[spmem:s3] =	stream.indirect.scatter.add.f32 [tilespmem:s16], [sflag:$0x2], $0x80, s14, s15, $0xb8;
	[tilespmem:$0x16500] =	vst v63  }
0x34: {  	_ =	swait.ge [sflag:s12], $0x2800  }
0x35: {  	s20 =	smov.u32 s23;
	[sflag:s12] =	ssyncset.done $0x0  }
0x36: {  	s20 =	sadd.s32 s19, s10;
	[sflag:s12] =	ssyncadd.s32 $0xFFFFD800  }
0x37: {  	[tilespmem:s13], [sflag:$0x2] =	stream.linear.gather [hbm4b:s20+s4], $0x50, $0x38;
	[tilespmem:$0x16500] =	vst v63  }
0x38: {  	_ =	swait.ge [sflag:s12], $0x50  }
0x39: {  	[sflag:s12] =	ssyncset.done $0x0  }
0x3a: {  	s31 =	sadd.s32 s19, s9;
	[sflag:s12] =	ssyncadd.s32 $0xFFFFFFB0  }
0x3b: {  	[tilespmem:s14], [sflag:$0x2] =	stream.linear.gather [hbm4b:s31+s4], $0x50, $0x38;
	[tilespmem:$0x16500] =	vst v63  }
0x3c: {  	_ =	swait.ge [sflag:s12], $0x50  }
0x3d: {  	[sflag:s12] =	ssyncset.done $0x0  }
0x3e: {  	[sflag:s12] =	ssyncadd.s32 $0xFFFFFFB0  }
0x3f: {  	[tilespmem:s16], [sflag:$0x1] =	stream.indirect.gather [hbm4b:s1+s15], $0x80, s13, s15, $0xb8;
	[tilespmem:$0x16500] =	vst v63  }
0x40: {  	_ =	swait.ge [sflag:s17], $0x2800  }
0x41: {  	[sflag:s17] =	ssyncset.done $0x0  }
0x42: {  	[sflag:s17] =	ssyncadd.s32 $0xFFFFD800  }
0x43: {  	[spmem:s3] =	stream.indirect.scatter.add.f32 [tilespmem:s16], [sflag:$0x2], $0x80, s14, s15, $0xb8;
	[tilespmem:$0x16500] =	vst v63  }
0x44: {  	_ =	swait.ge [sflag:s12], $0x2800  }
0x45: {  	s18 =	sadd.s32 $0x1, s18;
	[sflag:s12] =	ssyncset.done $0x0  }
0x46: {  	p0 =	sne.s32 s18, s8;
	[sflag:s12] =	ssyncadd.s32 $0xFFFFD800  }
.Ltmp1:
0x47: {  	[bflag:$0x0] =	sbarrier.arrive $0xFFFF;
	(pc) =	sbr.rel @p0 .LBB2_1-.Ltmp1, $4  }
0x48: {  	[hbm:s7], [sflag:s6] =	dma.local [spmem:s11], $0x2780  }
0x49: {  	_ =	swait.ge [sflag:s12], $0x2780  }
0x4a: {  	[sflag:s12] =	ssyncset.done $0x0  }
0x4b: {  	[sflag:s12] =	ssyncadd.s32 $0xFFFFD880  }
0x4c: {  	_ =	sfence.sel $0x180000  }
0x4d: {  	[bflag:$0x0] =	sbarrier.arrive $0xFFFF  }
0x4e: {  	p0 =	sne.s32 s0, $0x0;
	_ =	strace $0x9000004A  }
0x4f: {  	s0 =	sadd.s32 @!p0 $0x100000, s2;
	[bflag:$0x2] =	sbarrier.arrive $0xFFFF  }
0x50: {  	[sflag:s0] =	ssyncadd.tile.s32 @!p0 $0x1;
	_ =	shalt  }
.Lfunc_end2:
_tile_overlayer_lowered:
.L_overlay_start_2:
0x51: {  	(tag) =	ssettag $0x2  }
0x52: {  	s0 =	rddreg [dreg:$0x0];
	s2 =	stileid.u32  }
0x53: {  	s1 =	rddreg [dreg:$0x1];
	p0 =	sne.s32 s2, $0x0  }
0x54: {  	s3 =	rddreg [dreg:$0x2];
	[bflag:$0x3] =	sbarrier.arrive $0xFFFF;
	s2 =	simm.s32 @!p0 $0x1C02  }
0x55: {  	[timem:s3], [sflag:s2] =	dma.local @!p0 [hbm:s0], s1  }
0x56: {  	s0 =	simm.s32 @!p0 $0x2  }
0x57: {  	_ =	swait.ge @!p0 [sflag:s0], s1  }
0x58: {  	s1 =	ssub.s32 @!p0 $0x0, s1;
	[sflag:s0] =	ssyncset.done @!p0 $0x0  }
0x59: {  	[sflag:s0] =	ssyncadd.s32 @!p0 s1  }
0x5a: {  	[bflag:$0x3] =	sbarrier.arrive $0xFFFF  }
0x5b: {  	_ =	shalt  }

// kernel: kernel.14.cloned.1.call-start
scs
__scs_entry_jumppad:
0x0: {  	(pc) =	sbr.rel $0x88, $3  }
0x1: {  	(tag) =	ssettag $0x0;
	lr =	simm.s32 $0x1  }
0x2: {  	[smem:$0x3F9B] =	sst lr;
	_ =	strace $0xD0000000  }
0x3: {  	_ = 	snop  }
0x4: {  	_ = 	snop  }
0x5: {  	_ = 	snop  }
0x6: {  	_ = 	snop  }
0x7: {  	_ = 	snop  }
__scs_overlays_trampoline_lowered:
0x8: {  	[smem:$0x3FAA] =	sst s0  }
0x9: {  	[smem:$0x3FAB] =	sst s1  }
0xa: {  	[smem:$0x3FAC] =	sst s2  }
0xb: {  	[smem:$0x3FAD] =	sst s3  }
0xc: {  	[smem:$0x3FAE] =	sst s4  }
0xd: {  	[smem:$0x3FAF] =	sst s5  }
0xe: {  	[smem:$0x3FB0] =	sst s6  }
0xf: {  	[smem:$0x3FB1] =	sst s7  }
0x10: {  	[smem:$0x3FB2] =	sst s8  }
0x11: {  	[smem:$0x3FB3] =	sst s9;
	s0 =	simm.s32 @!p0 $0x0  }
0x12: {  	s1 =	sld [smem:$0x3F99];
	s0 =	simm.s32 @p0 $0x1  }
0x13: {  	[smem:$0x3FB4] =	sst s0;
	s0 =	simm.s32 @!p1 $0x0  }
0x14: {  	s2 =	sld [smem:$0x3F98];
	s0 =	simm.s32 @p1 $0x1  }
0x15: {  	[smem:$0x3FB5] =	sst s0;
	s0 =	simm.s32 @!p2 $0x0  }
0x16: {  	s3 =	sld [smem:$0x3FDB];
	s0 =	simm.s32 @p2 $0x1  }
0x17: {  	s4 =	simm.s32 $0x1BF5;
	[smem:$0x3FB7] =	sst s0  }
0x18: {  	s0 =	sld [smem:$0x3F9A];
	_ =	swait.ge [sflag:s4], $0x0  }
0x19: {  	s7 =	sld [smem:$0x3F9B]  }
0x1a: {  	s8 =	sadd.s32 $0xFFFFE003, lr  }
0x1b: {  	s9 =	sadd.s32 $0xFFFFFEF7, lr;
	s5 =	simm.s32 $0xFFFFFFFF;
	p2 =	slt.u32 s8, $0xFFFFF086  }
0x1c: {  	p1 =	slt.u32 s9, $0xF7A;
	s5 =	simm.s32 @!p2 $0x0  }
0x1d: {  	s5 =	simm.s32 @p1 $0x1;
	p0 =	seq.s32 s7, s2  }
0x1e: {  	s7 =	smul.u32 @!p0 $0xF7A, s2;
	p2 =	seq.s32 @!p0 s5, $0x0  }
0x1f: {  	s9 =	smul.u32 $0xF7A, s1;
	s8 =	simm.s32 @!p0 $0x1BF5;
	p2 =	por !p2, p0  }
0x20: {  	[sflag:s8] =	ssyncset.s32 @!p0 $0xFFFFF086;
	s6 =	sadd.s32 @!p0 s3, s7;
	s7 =	simm.s32 @!p0 $0x108  }
0x21: {  	s3 =	sadd.s32 s3, s9;
	s6 =	sadd.s32 @!p0 $0x88, s6;
	s7 =	simm.s32 @p2 $0x1082  }
0x22: {  	[simem:s7], [sflag:s8] =	dma.local @!p0 [hbm:s6], $0xF7A  }
0x23: {  	s9 =	sor.u32 $0xD0000000, s2;
	s6 =	simm.s32 $0x108;
	_ =	swait.ge @!p0 [sflag:s8], $0x0  }
0x24: {  	s3 =	sadd.s32 $0x88, s3;
	s6 =	simm.s32 @!p1 $0x1082;
	[sflag:s4] =	ssyncset.s32 $0xFFFFF086  }
0x25: {  	[simem:s6], [sflag:s4] =	dma.local [hbm:s3], $0xF7A  }
0x26: {  	[smem:$0x3F9B] =	sst s1;
	(tag) =	ssettag s2;
	_ =	strace s9  }
0x27: {  	s1 =	sld [smem:$0x3FAB]  }
0x28: {  	s2 =	sld [smem:$0x3FAC]  }
0x29: {  	s4 =	sld [smem:$0x3FAE]  }
0x2a: {  	p0 =	seq.s32 s5, $0x0;
	s5 =	sld [smem:$0x3FAF]  }
0x2b: {  	s6 =	sld [smem:$0x3FB0]  }
0x2c: {  	s7 =	sld [smem:$0x3FB1]  }
0x2d: {  	s3 =	simm.s32 $0x108;
	s8 =	sld [smem:$0x3FB2]  }
0x2e: {  	s3 =	simm.s32 @!p0 $0x1082;
	s9 =	sld [smem:$0x3FB3]  }
0x2f: {  	lr =	sadd.s32 s0, s3;
	s0 =	sld [smem:$0x3FAA]  }
0x30: {  	s3 =	sld [smem:$0x3FAD]  }
0x31: {  	[smem:$0x3FB6] =	sst s10  }
0x32: {  	s10 =	sld [smem:$0x3FB4];
	_ =	sdelay $0x3  }
0x33: {  	p0 =	seq.s32 s10, $0x1;
	s10 =	sld [smem:$0x3FB6];
	_ =	sdelay $0x3  }
0x34: {  	[smem:$0x3FB6] =	sst s10  }
0x35: {  	s10 =	sld [smem:$0x3FB5];
	_ =	sdelay $0x3  }
0x36: {  	p1 =	seq.s32 s10, $0x1;
	s10 =	sld [smem:$0x3FB6];
	_ =	sdelay $0x3  }
0x37: {  	[smem:$0x3FB6] =	sst s10  }
0x38: {  	s10 =	sld [smem:$0x3FB7]  }
0x39: {  	_ = 	snop;
	(pc) =	sbr.ind lr, $3  }
0x3a: {  	_ = 	snop  }
0x3b: {  	_ = 	snop  }
0x3c: {  	p2 =	seq.s32 s10, $0x1;
	s10 =	sld [smem:$0x3FB6]  }
0x3d: {  	_ =	shalt  }
0x3e: {  	_ =	shalt  }
0x3f: {  	_ =	shalt  }
0x40: {  	_ =	shalt  }
0x41: {  	_ =	shalt  }
0x42: {  	_ =	shalt  }
0x43: {  	_ =	shalt  }
0x44: {  	_ =	shalt  }
0x45: {  	_ =	shalt  }
0x46: {  	_ =	shalt  }
0x47: {  	_ =	shalt  }
0x48: {  	_ =	shalt  }
0x49: {  	_ =	shalt  }
0x4a: {  	_ =	shalt  }
0x4b: {  	_ =	shalt  }
0x4c: {  	_ =	shalt  }
0x4d: {  	_ =	shalt  }
0x4e: {  	_ =	shalt  }
0x4f: {  	_ =	shalt  }
0x50: {  	_ =	shalt  }
0x51: {  	_ =	shalt  }
0x52: {  	_ =	shalt  }
0x53: {  	_ =	shalt  }
0x54: {  	_ =	shalt  }
0x55: {  	_ =	shalt  }
0x56: {  	_ =	shalt  }
0x57: {  	_ =	shalt  }
0x58: {  	_ =	shalt  }
0x59: {  	_ =	shalt  }
0x5a: {  	_ =	shalt  }
0x5b: {  	_ =	shalt  }
0x5c: {  	_ =	shalt  }
0x5d: {  	_ =	shalt  }
0x5e: {  	_ =	shalt  }
0x5f: {  	_ =	shalt  }
0x60: {  	_ =	shalt  }
0x61: {  	_ =	shalt  }
0x62: {  	_ =	shalt  }
0x63: {  	_ =	shalt  }
0x64: {  	_ =	shalt  }
0x65: {  	_ =	shalt  }
0x66: {  	_ =	shalt  }
0x67: {  	_ =	shalt  }
0x68: {  	_ =	shalt  }
0x69: {  	_ =	shalt  }
0x6a: {  	_ =	shalt  }
0x6b: {  	_ =	shalt  }
0x6c: {  	_ =	shalt  }
0x6d: {  	_ =	shalt  }
0x6e: {  	_ =	shalt  }
0x6f: {  	_ =	shalt  }
0x70: {  	_ =	shalt  }
0x71: {  	_ =	shalt  }
0x72: {  	_ =	shalt  }
0x73: {  	_ =	shalt  }
0x74: {  	_ =	shalt  }
0x75: {  	_ =	shalt  }
0x76: {  	_ =	shalt  }
0x77: {  	_ =	shalt  }
0x78: {  	_ =	shalt  }
0x79: {  	_ =	shalt  }
0x7a: {  	_ =	shalt  }
0x7b: {  	_ =	shalt  }
0x7c: {  	_ =	shalt  }
0x7d: {  	_ =	shalt  }
0x7e: {  	_ =	shalt  }
0x7f: {  	_ =	shalt  }
0x80: {  	_ =	shalt  }
0x81: {  	_ =	shalt  }
0x82: {  	_ =	shalt  }
0x83: {  	_ =	shalt  }
0x84: {  	_ =	shalt  }
0x85: {  	_ =	shalt  }
0x86: {  	_ =	shalt  }
0x87: {  	_ =	shalt  }
.Lfunc_end0:
.L_simem_size_0:
called_computation.2_lowered:
.L_overlay_start_0:
0x88: {  	s2 =	sld [smem:$0x3FD9]  }
0x89: {  	s3 =	sld [smem:$0x3FFE];
	_ =	sdelay $0x1  }
0x8a: {  	s1 =	srdreg.scid  }
0x8b: {  	s0 =	sand.u32 $0x1, s1  }
0x8c: {  	s17 =	sshll.u32 s0, $0xA;
	s2 =	sadd.s32 s3, s2  }
0x8d: {  	s2 =	sadd.s32 s2, s17  }
0x8e: {  	[smem:$0x3FC2] =	sst s2  }
0x8f: {  	_ = 	snop  }
0x90: {  	s2 =	sld [smem:$0x3FD0];
	(tm) =	ssettm $0x1  }
0x91: {  	s18 =	sld [smem:$0x3FFB];
	_ =	sdelay $0x3  }
0x92: {  	_ =	strace s18  }
0x93: {  	s3 =	sld [smem:$0x3FFC];
	_ =	sdelay $0x3  }
0x94: {  	_ =	strace s3  }
0x95: {  	s3 =	sld [smem:$0x3FFD];
	_ =	sdelay $0x3  }
0x96: {  	_ =	strace s3  }
0x97: {  	_ =	strace $0x8FFFFFFF  }
0x98: {  	s19 =	sld [smem:$0x3FDB];
	_ =	sdelay $0x1  }
0x99: {  	s4 =	simm.s32 $_scs_section_size  }
0x9a: {  	s5 =	simm.s32 $_size__tile_overlayer_lowered;
	s6 =	simm.s32 $_tile_overlayer_lowered  }
0x9b: {  	s22 =	simm.s32 $0x1BFF;
	s21 =	sshll.u32 s6, $0x1;
	s3 =	sadd.s32 s4, s19  }
0x9c: {  	s7 =	simm.s32 $0x0;
	s20 =	sshll.u32 s5, $0x1;
	s5 =	sadd.s32 s21, s3  }
0x9d: {  	[timem:s7], [sflag:s22] =	dma.local [hbm:s5], s20  }
0x9e: {  	_ =	swait.ge [sflag:s22], s20  }
0x9f: {  	s4 =	ssub.s32 $0x0, s20;
	[sflag:s22] =	ssyncset.done $0x0  }
0xa0: {  	[sflag:s22] =	ssyncadd.s32 s4;
	_ =	sdelay $0x1  }
0xa1: {  	s23 =	simm.s32 $0x1B8B  }
0xa2: {  	_ =	swait.ge [sflag:s23], $0x1  }
0xa3: {  	[sflag:s23] =	ssyncset.done $0x0  }
0xa4: {  	s25 =	simm.s32 $0x1B8E;
	s24 =	sld [smem:$0x3FFE];
	[sflag:s23] =	ssyncadd.s32 $0xFFFFFFFF  }
0xa5: {  	s26 =	simm.s32 $execute0_lowered;
	[smem:$0x3FD2] =	sst s25  }
0xa6: {  	s5 =	sshll.u32 s26, $0x1;
	_ =	strace $0x8000004C;
	[dreg:$0x1] =	wrdreg $0xFFFFFFFF  }
0xa7: {  	s28 =	simm.s32 $_size_execute0_lowered;
	s3 =	sadd.s32 s3, s5;
	[dreg:$0x0] =	wrdreg $0x0  }
0xa8: {  	s5 =	sshll.u32 s28, $0x1;
	[dreg:$0x2] =	wrdreg s3  }
0xa9: {  	[dreg:$0x3] =	wrdreg s5  }
0xaa: {  	[dreg:$0x4] =	wrdreg $0xC0  }
0xab: {  	_ =	task [dreg:s7], $0x5FFFF  }
0xac: {  	[dreg:$0x1] =	wrdreg $0xFFFFFFFF  }
0xad: {  	[dreg:$0x0] =	wrdreg $0x60  }
0xae: {  	[dreg:$0x2] =	wrdreg s2  }
0xaf: {  	[dreg:$0x3] =	wrdreg s24  }
0xb0: {  	[dreg:$0x4] =	wrdreg $0x0  }
0xb1: {  	[dreg:$0x5] =	wrdreg $0x9  }
0xb2: {  	_ =	task.clear_ibuf [dreg:s7], $0x6FFFF;
	_ =	strace $0x9000004C  }
0xb3: {  	s29 =	simm.s32 $0x9;
	_ =	strace $0x8000004E  }
0xb4: {  	_ =	swait.ge [sflag:s29], $0x1  }
0xb5: {  	[sflag:s29] =	ssyncadd.s32 $0xFFFFFFFF  }
0xb6: {  	_ =	strace $0x9000004E  }
0xb7: {  	_ =	sfence  }
0xb8: {  	s30 =	sld [smem:$0x0];
	_ =	sdelay $0x2  }
0xb9: {  	s31 =	sshll.u32 s1, $0xD;
	s1 =	sshrl.u32 s1, $0x2  }
0xba: {  	s3 =	sand.u32 $0x4000, s31;
	s1 =	sadd.s32 s1, s30  }
0xbb: {  	s0 =	sor.u32 s3, s0;
	s1 =	sshll.u32 s1, $0x11  }
0xbc: {  	s0 =	sor.u32 s1, s0  }
0xbd: {  	s0 =	sadd.s32 $0x8F2B, s0  }
0xbe: {  	[sflag:s0] =	ssyncadd.remote.s32 $0x1  }
0xbf: {  	_ =	sfence.sel $0xFFFF  }
0xc0: {  	[dreg:$0x0] =	wrdreg $0xFFFFFFFF;
	(pc) =	sbr.abs _section_cstart, $3  }
0xc1: {  	[dreg:$0x1] =	wrdreg $0xFFFFFFFF  }
0xc2: {  	_ =	task.clear_ibuf [dreg:s7], $0x2FFFF;
	_ =	strace $0x9FFFFFFF  }
0xc3: {  	(tm) =	ssettm $0x7FFFFFFF  }
tec
execute0_lowered:
.L_overlay_start_1:
0x0: {  	(tag) =	ssettag $0x1  }
0x1: {  	s1 =	rddreg [dreg:$0x0]  }
0x2: {  	s7 =	rddreg [dreg:$0x1]  }
0x3: {  	s3 =	rddreg [dreg:$0x2]  }
0x4: {  	s0 =	srdreg.scid;
	s2 =	rddreg [dreg:$0x3]  }
0x5: {  	s4 =	simm.s32 $0x0;
	s13 =	simm.s32 $0x13C00;
	s6 =	sand.u32 $0x1, s0  }
0x6: {  	s14 =	simm.s32 $0x13C80;
	s0 =	stileid.u32;
	s5 =	smul.u32 $0x28000, s6  }
0x7: {  	s15 =	simm.s32 $0x50;
	s16 =	simm.s32 $0x13D00;
	s8 =	smul.u32 $0x2800, s0  }
0x8: {  	s17 =	simm.s32 $0x1;
	[smem:$0x7FF] =	sst s4;
	s9 =	smul.u32 $0x13C000, s6  }
0x9: {  	s18 =	simm.s32 $0x0;
	s10 =	smul.u32 $0x13C00, s0;
	_ =	strace $0x8000004D  }
0xa: {  	s30 =	smul.u32 $0x4F000, s0;
	s6 =	ssub.s32 $0x2, s6;
	s11 =	sshll.u32 s0, $0x6  }
0xb: {  	s31 =	sshrl.u32 s6, $0x1;
	s5 =	sadd.s32 s8, s5;
	s28 =	sadd.s32 s10, s9  }
0xc: {  	s9 =	sshrl.u32 s30, $0x2;
	s5 =	sshrl.u32 s5, $0x3;
	s8 =	sshrl.u32 s28, $0x3  }
0xd: {  	s12 =	sadd.s32 s9, s3;
	s29 =	sadd.s32 s5, s7;
	s5 =	sadd.s32 $0x16C00, s7  }
0xe: {  	s7 =	sadd.s32 s8, s7;
	s8 =	ssub.s32 s6, s31;
	s6 =	sor.u32 $0x1C02, s11  }
0xf: {  	s11 =	sshrl.u32 s12, $0x3;
	s12 =	simm.s32 $0x2;
	s7 =	sadd.s32 $0x19400, s7  }
0x10: {  	s8 =	smax.u32 s8, $0x1;
	s9 =	sadd.s32 $0x2800, s29;
	s10 =	sadd.s32 $0xCA00, s29  }
.LBB2_1:
0x11: {  	[spmem:s11], [sflag:s6] =	dma.local [hbm:s5], $0x2780  }
0x12: {  	_ =	swait.ge [sflag:s12], $0x2780  }
0x13: {  	[sflag:s12] =	ssyncset.done $0x0  }
0x14: {  	[sflag:s12] =	ssyncadd.s32 $0xFFFFD880  }
0x15: {  	s19 =	sadd.s32 $0x0, s10;
	[bflag:$0x0] =	sbarrier.arrive $0xFFFF  }
0x16: {  	[tilespmem:s13], [sflag:$0x2] =	stream.linear.gather [hbm4b:s19+s4], $0x50, $0x38;
	[tilespmem:$0x16500] =	vst v63  }
0x17: {  	_ =	swait.ge [sflag:s12], $0x50  }
0x18: {  	[sflag:s12] =	ssyncset.done $0x0  }
0x19: {  	s31 =	sadd.s32 $0x0, s9;
	[sflag:s12] =	ssyncadd.s32 $0xFFFFFFB0  }
0x1a: {  	[tilespmem:s14], [sflag:$0x2] =	stream.linear.gather [hbm4b:s31+s4], $0x50, $0x38;
	[tilespmem:$0x16500] =	vst v63  }
0x1b: {  	_ =	swait.ge [sflag:s12], $0x50  }
0x1c: {  	[sflag:s12] =	ssyncset.done $0x0  }
0x1d: {  	[sflag:s12] =	ssyncadd.s32 $0xFFFFFFB0  }
0x1e: {  	[tilespmem:s16], [sflag:$0x1] =	stream.indirect.gather [hbm4b:s1+s15], $0x80, s13, s15, $0xb8;
	[tilespmem:$0x16500] =	vst v63  }
0x1f: {  	_ =	swait.ge [sflag:s17], $0x2800  }
0x20: {  	[sflag:s17] =	ssyncset.done $0x0  }
0x21: {  	[sflag:s17] =	ssyncadd.s32 $0xFFFFD800  }
0x22: {  	[spmem:s3] =	stream.indirect.scatter.add.f32 [tilespmem:s16], [sflag:$0x2], $0x80, s14, s15, $0xb8;
	[tilespmem:$0x16500] =	vst v63  }
0x23: {  	_ =	swait.ge [sflag:s12], $0x2800  }
0x24: {  	s20 =	simm.s32 $0x14;
	s19 =	simm.s32 $0xA;
	[sflag:s12] =	ssyncset.done $0x0  }
.LBB2_2:
0x25: {  	s21 =	sadd.s32 s19, s10  }
0x26: {  	[sflag:s12] =	ssyncadd.s32 $0xFFFFD800;
	s22 =	smov.u32 s20;
	s23 =	sadd.s32 $0xA, s20  }
0x27: {  	[tilespmem:s13], [sflag:$0x2] =	stream.linear.gather [hbm4b:s21+s4], $0x50, $0x38;
	[tilespmem:$0x16500] =	vst v63  }
0x28: {  	p0 =	sne.s32 s20, $0x4F6;
	_ =	swait.ge [sflag:s12], $0x50  }
0x29: {  	[sflag:s12] =	ssyncset.done $0x0  }
0x2a: {  	s20 =	sadd.s32 s19, s9;
	s19 =	smov.u32 s22;
	[sflag:s12] =	ssyncadd.s32 $0xFFFFFFB0  }
0x2b: {  	[tilespmem:s14], [sflag:$0x2] =	stream.linear.gather [hbm4b:s20+s4], $0x50, $0x38;
	[tilespmem:$0x16500] =	vst v63  }
0x2c: {  	_ =	swait.ge [sflag:s12], $0x50  }
0x2d: {  	[sflag:s12] =	ssyncset.done $0x0  }
0x2e: {  	[sflag:s12] =	ssyncadd.s32 $0xFFFFFFB0  }
0x2f: {  	[tilespmem:s16], [sflag:$0x1] =	stream.indirect.gather [hbm4b:s1+s15], $0x80, s13, s15, $0xb8;
	[tilespmem:$0x16500] =	vst v63  }
0x30: {  	_ =	swait.ge [sflag:s17], $0x2800  }
.Ltmp0:
0x31: {  	[sflag:s17] =	ssyncset.done $0x0;
	(pc) =	sbr.rel @p0 .LBB2_2-.Ltmp0, $4  }
0x32: {  	[sflag:s17] =	ssyncadd.s32 $0xFFFFD800  }
0x33: {  	[spmem:s3] =	stream.indirect.scatter.add.f32 [tilespmem:s16], [sflag:$0x2], $0x80, s14, s15, $0xb8;
	[tilespmem:$0x16500] =	vst v63  }
0x34: {  	_ =	swait.ge [sflag:s12], $0x2800  }
0x35: {  	s20 =	smov.u32 s23;
	[sflag:s12] =	ssyncset.done $0x0  }
0x36: {  	s20 =	sadd.s32 s19, s10;
	[sflag:s12] =	ssyncadd.s32 $0xFFFFD800  }
0x37: {  	[tilespmem:s13], [sflag:$0x2] =	stream.linear.gather [hbm4b:s20+s4], $0x50, $0x38;
	[tilespmem:$0x16500] =	vst v63  }
0x38: {  	_ =	swait.ge [sflag:s12], $0x50  }
0x39: {  	[sflag:s12] =	ssyncset.done $0x0  }
0x3a: {  	s31 =	sadd.s32 s19, s9;
	[sflag:s12] =	ssyncadd.s32 $0xFFFFFFB0  }
0x3b: {  	[tilespmem:s14], [sflag:$0x2] =	stream.linear.gather [hbm4b:s31+s4], $0x50, $0x38;
	[tilespmem:$0x16500] =	vst v63  }
0x3c: {  	_ =	swait.ge [sflag:s12], $0x50  }
0x3d: {  	[sflag:s12] =	ssyncset.done $0x0  }
0x3e: {  	[sflag:s12] =	ssyncadd.s32 $0xFFFFFFB0  }
0x3f: {  	[tilespmem:s16], [sflag:$0x1] =	stream.indirect.gather [hbm4b:s1+s15], $0x80, s13, s15, $0xb8;
	[tilespmem:$0x16500] =	vst v63  }
0x40: {  	_ =	swait.ge [sflag:s17], $0x2800  }
0x41: {  	[sflag:s17] =	ssyncset.done $0x0  }
0x42: {  	[sflag:s17] =	ssyncadd.s32 $0xFFFFD800  }
0x43: {  	[spmem:s3] =	stream.indirect.scatter.add.f32 [tilespmem:s16], [sflag:$0x2], $0x80, s14, s15, $0xb8;
	[tilespmem:$0x16500] =	vst v63  }
0x44: {  	_ =	swait.ge [sflag:s12], $0x2800  }
0x45: {  	s18 =	sadd.s32 $0x1, s18;
	[sflag:s12] =	ssyncset.done $0x0  }
0x46: {  	p0 =	sne.s32 s18, s8;
	[sflag:s12] =	ssyncadd.s32 $0xFFFFD800  }
.Ltmp1:
0x47: {  	[bflag:$0x0] =	sbarrier.arrive $0xFFFF;
	(pc) =	sbr.rel @p0 .LBB2_1-.Ltmp1, $4  }
0x48: {  	[hbm:s7], [sflag:s6] =	dma.local [spmem:s11], $0x2780  }
0x49: {  	_ =	swait.ge [sflag:s12], $0x2780  }
0x4a: {  	[sflag:s12] =	ssyncset.done $0x0  }
0x4b: {  	[sflag:s12] =	ssyncadd.s32 $0xFFFFD880  }
0x4c: {  	_ =	sfence.sel $0x180000  }
0x4d: {  	[bflag:$0x0] =	sbarrier.arrive $0xFFFF  }
0x4e: {  	p0 =	sne.s32 s0, $0x0;
	_ =	strace $0x9000004D  }
0x4f: {  	s0 =	sadd.s32 @!p0 $0x100000, s2;
	[bflag:$0x2] =	sbarrier.arrive $0xFFFF  }
0x50: {  	[sflag:s0] =	ssyncadd.tile.s32 @!p0 $0x1;
	_ =	shalt  }
.Lfunc_end2:
_tile_overlayer_lowered:
.L_overlay_start_2:
0x51: {  	(tag) =	ssettag $0x2  }
0x52: {  	s0 =	rddreg [dreg:$0x0];
	s2 =	stileid.u32  }
0x53: {  	s1 =	rddreg [dreg:$0x1];
	p0 =	sne.s32 s2, $0x0  }
0x54: {  	s3 =	rddreg [dreg:$0x2];
	[bflag:$0x3] =	sbarrier.arrive $0xFFFF;
	s2 =	simm.s32 @!p0 $0x1C02  }
0x55: {  	[timem:s3], [sflag:s2] =	dma.local @!p0 [hbm:s0], s1  }
0x56: {  	s0 =	simm.s32 @!p0 $0x2  }
0x57: {  	_ =	swait.ge @!p0 [sflag:s0], s1  }
0x58: {  	s1 =	ssub.s32 @!p0 $0x0, s1;
	[sflag:s0] =	ssyncset.done @!p0 $0x0  }
0x59: {  	[sflag:s0] =	ssyncadd.s32 @!p0 s1  }
0x5a: {  	[bflag:$0x3] =	sbarrier.arrive $0xFFFF  }
0x5b: {  	_ =	shalt  }

// kernel: kernel.8.cloned.1.call-start
scs
__scs_entry_jumppad:
0x0: {  	(pc) =	sbr.rel $0x88, $3  }
0x1: {  	(tag) =	ssettag $0x0;
	lr =	simm.s32 $0x1  }
0x2: {  	[smem:$0x3F9B] =	sst lr;
	_ =	strace $0xD0000000  }
0x3: {  	_ = 	snop  }
0x4: {  	_ = 	snop  }
0x5: {  	_ = 	snop  }
0x6: {  	_ = 	snop  }
0x7: {  	_ = 	snop  }
__scs_overlays_trampoline_lowered:
0x8: {  	[smem:$0x3FAA] =	sst s0  }
0x9: {  	[smem:$0x3FAB] =	sst s1  }
0xa: {  	[smem:$0x3FAC] =	sst s2  }
0xb: {  	[smem:$0x3FAD] =	sst s3  }
0xc: {  	[smem:$0x3FAE] =	sst s4  }
0xd: {  	[smem:$0x3FAF] =	sst s5  }
0xe: {  	[smem:$0x3FB0] =	sst s6  }
0xf: {  	[smem:$0x3FB1] =	sst s7  }
0x10: {  	[smem:$0x3FB2] =	sst s8  }
0x11: {  	[smem:$0x3FB3] =	sst s9;
	s0 =	simm.s32 @!p0 $0x0  }
0x12: {  	s1 =	sld [smem:$0x3F99];
	s0 =	simm.s32 @p0 $0x1  }
0x13: {  	[smem:$0x3FB4] =	sst s0;
	s0 =	simm.s32 @!p1 $0x0  }
0x14: {  	s2 =	sld [smem:$0x3F98];
	s0 =	simm.s32 @p1 $0x1  }
0x15: {  	[smem:$0x3FB5] =	sst s0;
	s0 =	simm.s32 @!p2 $0x0  }
0x16: {  	s3 =	sld [smem:$0x3FDB];
	s0 =	simm.s32 @p2 $0x1  }
0x17: {  	s4 =	simm.s32 $0x1BF5;
	[smem:$0x3FB7] =	sst s0  }
0x18: {  	s0 =	sld [smem:$0x3F9A];
	_ =	swait.ge [sflag:s4], $0x0  }
0x19: {  	s7 =	sld [smem:$0x3F9B]  }
0x1a: {  	s8 =	sadd.s32 $0xFFFFE003, lr  }
0x1b: {  	s9 =	sadd.s32 $0xFFFFFEF7, lr;
	s5 =	simm.s32 $0xFFFFFFFF;
	p2 =	slt.u32 s8, $0xFFFFF086  }
0x1c: {  	p1 =	slt.u32 s9, $0xF7A;
	s5 =	simm.s32 @!p2 $0x0  }
0x1d: {  	s5 =	simm.s32 @p1 $0x1;
	p0 =	seq.s32 s7, s2  }
0x1e: {  	s7 =	smul.u32 @!p0 $0xF7A, s2;
	p2 =	seq.s32 @!p0 s5, $0x0  }
0x1f: {  	s9 =	smul.u32 $0xF7A, s1;
	s8 =	simm.s32 @!p0 $0x1BF5;
	p2 =	por !p2, p0  }
0x20: {  	[sflag:s8] =	ssyncset.s32 @!p0 $0xFFFFF086;
	s6 =	sadd.s32 @!p0 s3, s7;
	s7 =	simm.s32 @!p0 $0x108  }
0x21: {  	s3 =	sadd.s32 s3, s9;
	s6 =	sadd.s32 @!p0 $0x88, s6;
	s7 =	simm.s32 @p2 $0x1082  }
0x22: {  	[simem:s7], [sflag:s8] =	dma.local @!p0 [hbm:s6], $0xF7A  }
0x23: {  	s9 =	sor.u32 $0xD0000000, s2;
	s6 =	simm.s32 $0x108;
	_ =	swait.ge @!p0 [sflag:s8], $0x0  }
0x24: {  	s3 =	sadd.s32 $0x88, s3;
	s6 =	simm.s32 @!p1 $0x1082;
	[sflag:s4] =	ssyncset.s32 $0xFFFFF086  }
0x25: {  	[simem:s6], [sflag:s4] =	dma.local [hbm:s3], $0xF7A  }
0x26: {  	[smem:$0x3F9B] =	sst s1;
	(tag) =	ssettag s2;
	_ =	strace s9  }
0x27: {  	s1 =	sld [smem:$0x3FAB]  }
0x28: {  	s2 =	sld [smem:$0x3FAC]  }
0x29: {  	s4 =	sld [smem:$0x3FAE]  }
0x2a: {  	p0 =	seq.s32 s5, $0x0;
	s5 =	sld [smem:$0x3FAF]  }
0x2b: {  	s6 =	sld [smem:$0x3FB0]  }
0x2c: {  	s7 =	sld [smem:$0x3FB1]  }
0x2d: {  	s3 =	simm.s32 $0x108;
	s8 =	sld [smem:$0x3FB2]  }
0x2e: {  	s3 =	simm.s32 @!p0 $0x1082;
	s9 =	sld [smem:$0x3FB3]  }
0x2f: {  	lr =	sadd.s32 s0, s3;
	s0 =	sld [smem:$0x3FAA]  }
0x30: {  	s3 =	sld [smem:$0x3FAD]  }
0x31: {  	[smem:$0x3FB6] =	sst s10  }
0x32: {  	s10 =	sld [smem:$0x3FB4];
	_ =	sdelay $0x3  }
0x33: {  	p0 =	seq.s32 s10, $0x1;
	s10 =	sld [smem:$0x3FB6];
	_ =	sdelay $0x3  }
0x34: {  	[smem:$0x3FB6] =	sst s10  }
0x35: {  	s10 =	sld [smem:$0x3FB5];
	_ =	sdelay $0x3  }
0x36: {  	p1 =	seq.s32 s10, $0x1;
	s10 =	sld [smem:$0x3FB6];
	_ =	sdelay $0x3  }
0x37: {  	[smem:$0x3FB6] =	sst s10  }
0x38: {  	s10 =	sld [smem:$0x3FB7]  }
0x39: {  	_ = 	snop;
	(pc) =	sbr.ind lr, $3  }
0x3a: {  	_ = 	snop  }
0x3b: {  	_ = 	snop  }
0x3c: {  	p2 =	seq.s32 s10, $0x1;
	s10 =	sld [smem:$0x3FB6]  }
0x3d: {  	_ =	shalt  }
0x3e: {  	_ =	shalt  }
0x3f: {  	_ =	shalt  }
0x40: {  	_ =	shalt  }
0x41: {  	_ =	shalt  }
0x42: {  	_ =	shalt  }
0x43: {  	_ =	shalt  }
0x44: {  	_ =	shalt  }
0x45: {  	_ =	shalt  }
0x46: {  	_ =	shalt  }
0x47: {  	_ =	shalt  }
0x48: {  	_ =	shalt  }
0x49: {  	_ =	shalt  }
0x4a: {  	_ =	shalt  }
0x4b: {  	_ =	shalt  }
0x4c: {  	_ =	shalt  }
0x4d: {  	_ =	shalt  }
0x4e: {  	_ =	shalt  }
0x4f: {  	_ =	shalt  }
0x50: {  	_ =	shalt  }
0x51: {  	_ =	shalt  }
0x52: {  	_ =	shalt  }
0x53: {  	_ =	shalt  }
0x54: {  	_ =	shalt  }
0x55: {  	_ =	shalt  }
0x56: {  	_ =	shalt  }
0x57: {  	_ =	shalt  }
0x58: {  	_ =	shalt  }
0x59: {  	_ =	shalt  }
0x5a: {  	_ =	shalt  }
0x5b: {  	_ =	shalt  }
0x5c: {  	_ =	shalt  }
0x5d: {  	_ =	shalt  }
0x5e: {  	_ =	shalt  }
0x5f: {  	_ =	shalt  }
0x60: {  	_ =	shalt  }
0x61: {  	_ =	shalt  }
0x62: {  	_ =	shalt  }
0x63: {  	_ =	shalt  }
0x64: {  	_ =	shalt  }
0x65: {  	_ =	shalt  }
0x66: {  	_ =	shalt  }
0x67: {  	_ =	shalt  }
0x68: {  	_ =	shalt  }
0x69: {  	_ =	shalt  }
0x6a: {  	_ =	shalt  }
0x6b: {  	_ =	shalt  }
0x6c: {  	_ =	shalt  }
0x6d: {  	_ =	shalt  }
0x6e: {  	_ =	shalt  }
0x6f: {  	_ =	shalt  }
0x70: {  	_ =	shalt  }
0x71: {  	_ =	shalt  }
0x72: {  	_ =	shalt  }
0x73: {  	_ =	shalt  }
0x74: {  	_ =	shalt  }
0x75: {  	_ =	shalt  }
0x76: {  	_ =	shalt  }
0x77: {  	_ =	shalt  }
0x78: {  	_ =	shalt  }
0x79: {  	_ =	shalt  }
0x7a: {  	_ =	shalt  }
0x7b: {  	_ =	shalt  }
0x7c: {  	_ =	shalt  }
0x7d: {  	_ =	shalt  }
0x7e: {  	_ =	shalt  }
0x7f: {  	_ =	shalt  }
0x80: {  	_ =	shalt  }
0x81: {  	_ =	shalt  }
0x82: {  	_ =	shalt  }
0x83: {  	_ =	shalt  }
0x84: {  	_ =	shalt  }
0x85: {  	_ =	shalt  }
0x86: {  	_ =	shalt  }
0x87: {  	_ =	shalt  }
.Lfunc_end0:
.L_simem_size_0:
called_computation_lowered:
.L_overlay_start_0:
0x88: {  	s2 =	sld [smem:$0x3FD9]  }
0x89: {  	s3 =	sld [smem:$0x3FFE];
	_ =	sdelay $0x1  }
0x8a: {  	s1 =	srdreg.scid  }
0x8b: {  	s0 =	sand.u32 $0x1, s1  }
0x8c: {  	s17 =	sshll.u32 s0, $0xA;
	s2 =	sadd.s32 s3, s2  }
0x8d: {  	s2 =	sadd.s32 s2, s17  }
0x8e: {  	[smem:$0x3FC2] =	sst s2  }
0x8f: {  	_ = 	snop  }
0x90: {  	s2 =	sld [smem:$0x3FD0];
	(tm) =	ssettm $0x1  }
0x91: {  	s18 =	sld [smem:$0x3FFB];
	_ =	sdelay $0x3  }
0x92: {  	_ =	strace s18  }
0x93: {  	s3 =	sld [smem:$0x3FFC];
	_ =	sdelay $0x3  }
0x94: {  	_ =	strace s3  }
0x95: {  	s3 =	sld [smem:$0x3FFD];
	_ =	sdelay $0x3  }
0x96: {  	_ =	strace s3  }
0x97: {  	_ =	strace $0x8FFFFFFF  }
0x98: {  	s19 =	sld [smem:$0x3FDB];
	_ =	sdelay $0x1  }
0x99: {  	s4 =	simm.s32 $_scs_section_size  }
0x9a: {  	s5 =	simm.s32 $_size__tile_overlayer_lowered;
	s6 =	simm.s32 $_tile_overlayer_lowered  }
0x9b: {  	s22 =	simm.s32 $0x1BFF;
	s21 =	sshll.u32 s6, $0x1;
	s3 =	sadd.s32 s4, s19  }
0x9c: {  	s7 =	simm.s32 $0x0;
	s20 =	sshll.u32 s5, $0x1;
	s5 =	sadd.s32 s21, s3  }
0x9d: {  	[timem:s7], [sflag:s22] =	dma.local [hbm:s5], s20  }
0x9e: {  	_ =	swait.ge [sflag:s22], s20  }
0x9f: {  	s4 =	ssub.s32 $0x0, s20;
	[sflag:s22] =	ssyncset.done $0x0  }
0xa0: {  	[sflag:s22] =	ssyncadd.s32 s4;
	_ =	sdelay $0x1  }
0xa1: {  	s23 =	simm.s32 $0x1B8B  }
0xa2: {  	_ =	swait.ge [sflag:s23], $0x1  }
0xa3: {  	[sflag:s23] =	ssyncset.done $0x0  }
0xa4: {  	s25 =	simm.s32 $0x1B8E;
	s24 =	sld [smem:$0x3FFE];
	[sflag:s23] =	ssyncadd.s32 $0xFFFFFFFF  }
0xa5: {  	s26 =	simm.s32 $execute0_lowered;
	[smem:$0x3FD2] =	sst s25  }
0xa6: {  	s5 =	sshll.u32 s26, $0x1;
	_ =	strace $0x80000046;
	[dreg:$0x1] =	wrdreg $0xFFFFFFFF  }
0xa7: {  	s28 =	simm.s32 $_size_execute0_lowered;
	s3 =	sadd.s32 s3, s5;
	[dreg:$0x0] =	wrdreg $0x0  }
0xa8: {  	s5 =	sshll.u32 s28, $0x1;
	[dreg:$0x2] =	wrdreg s3  }
0xa9: {  	[dreg:$0x3] =	wrdreg s5  }
0xaa: {  	[dreg:$0x4] =	wrdreg $0xC0  }
0xab: {  	_ =	task [dreg:s7], $0x5FFFF  }
0xac: {  	[dreg:$0x1] =	wrdreg $0xFFFFFFFF  }
0xad: {  	[dreg:$0x0] =	wrdreg $0x60  }
0xae: {  	[dreg:$0x2] =	wrdreg s24  }
0xaf: {  	[dreg:$0x3] =	wrdreg s2  }
0xb0: {  	[dreg:$0x4] =	wrdreg $0x0  }
0xb1: {  	[dreg:$0x5] =	wrdreg $0x9  }
0xb2: {  	_ =	task.clear_ibuf [dreg:s7], $0x6FFFF;
	_ =	strace $0x90000046  }
0xb3: {  	s29 =	simm.s32 $0x9;
	_ =	strace $0x80000048  }
0xb4: {  	_ =	swait.ge [sflag:s29], $0x1  }
0xb5: {  	[sflag:s29] =	ssyncadd.s32 $0xFFFFFFFF  }
0xb6: {  	_ =	strace $0x90000048  }
0xb7: {  	_ =	sfence  }
0xb8: {  	s30 =	sld [smem:$0x0];
	_ =	sdelay $0x2  }
0xb9: {  	s31 =	sshll.u32 s1, $0xD;
	s1 =	sshrl.u32 s1, $0x2  }
0xba: {  	s3 =	sand.u32 $0x4000, s31;
	s1 =	sadd.s32 s1, s30  }
0xbb: {  	s0 =	sor.u32 s3, s0;
	s1 =	sshll.u32 s1, $0x11  }
0xbc: {  	s0 =	sor.u32 s1, s0  }
0xbd: {  	s0 =	sadd.s32 $0x8F2B, s0  }
0xbe: {  	[sflag:s0] =	ssyncadd.remote.s32 $0x1  }
0xbf: {  	_ =	sfence.sel $0xFFFF  }
0xc0: {  	[dreg:$0x0] =	wrdreg $0xFFFFFFFF;
	(pc) =	sbr.abs _section_cstart, $3  }
0xc1: {  	[dreg:$0x1] =	wrdreg $0xFFFFFFFF  }
0xc2: {  	_ =	task.clear_ibuf [dreg:s7], $0x2FFFF;
	_ =	strace $0x9FFFFFFF  }
0xc3: {  	(tm) =	ssettm $0x7FFFFFFF  }
tec
execute0_lowered:
.L_overlay_start_1:
0x0: {  	(tag) =	ssettag $0x1  }
0x1: {  	s6 =	rddreg [dreg:$0x0]  }
0x2: {  	s2 =	rddreg [dreg:$0x1]  }
0x3: {  	s0 =	srdreg.scid;
	s3 =	rddreg [dreg:$0x2]  }
0x4: {  	s1 =	rddreg [dreg:$0x3];
	s7 =	sand.u32 $0x1, s0  }
0x5: {  	s0 =	stileid.u32;
	s5 =	smul.u32 $0x28000, s7  }
0x6: {  	s4 =	simm.s32 $0x0;
	s13 =	simm.s32 $0x13C00;
	s8 =	smul.u32 $0x2800, s0  }
0x7: {  	s14 =	simm.s32 $0x50;
	[smem:$0x7FF] =	sst s4;
	s9 =	smul.u32 $0x13C000, s7  }
0x8: {  	s15 =	simm.s32 $0x0;
	s10 =	smul.u32 $0x13C00, s0;
	_ =	strace $0x80000047  }
0x9: {  	s30 =	smul.u32 $0x4F000, s0;
	s31 =	ssub.s32 $0x2, s7;
	s11 =	sshll.u32 s0, $0x6  }
0xa: {  	s7 =	sshrl.u32 s31, $0x1;
	s5 =	sadd.s32 s8, s5;
	s28 =	sadd.s32 s10, s9  }
0xb: {  	s10 =	sshrl.u32 s30, $0x2;
	s12 =	ssub.s32 s31, s7;
	s5 =	sshrl.u32 s5, $0x3  }
0xc: {  	s8 =	sshrl.u32 s28, $0x3;
	s10 =	sadd.s32 s10, s3;
	s29 =	sadd.s32 s5, s6  }
0xd: {  	s5 =	sadd.s32 $0x16C00, s6;
	s8 =	sadd.s32 s8, s6;
	s6 =	sor.u32 $0x1C01, s11  }
0xe: {  	s10 =	sshrl.u32 s10, $0x3;
	s11 =	simm.s32 $0x1;
	s7 =	sadd.s32 $0x19400, s8  }
0xf: {  	s8 =	smax.u32 s12, $0x1;
	s9 =	sadd.s32 $0x2800, s29;
	s12 =	simm.s32 $0x13C80  }
.LBB2_1:
0x10: {  	[spmem:s10], [sflag:s6] =	dma.local [hbm:s5], $0x2780  }
0x11: {  	_ =	swait.ge [sflag:s11], $0x2780  }
0x12: {  	[sflag:s11] =	ssyncset.done $0x0  }
0x13: {  	[sflag:s11] =	ssyncadd.s32 $0xFFFFD880  }
0x14: {  	[tilespmem:s12], [sflag:$0x1] =	stream.linear.gather [hbm4b:s2+s4], $0x2800, $0x38;
	[tilespmem:$0x16480] =	vst v63  }
0x15: {  	_ =	swait.ge [sflag:s11], $0x2800  }
0x16: {  	[sflag:s11] =	ssyncset.done $0x0  }
0x17: {  	[sflag:s11] =	ssyncadd.s32 $0xFFFFD800  }
0x18: {  	s16 =	sadd.s32 $0x0, s9;
	[bflag:$0x0] =	sbarrier.arrive $0xFFFF  }
0x19: {  	[tilespmem:s13], [sflag:$0x1] =	stream.linear.gather [hbm4b:s16+s4], $0x50, $0x38;
	[tilespmem:$0x16480] =	vst v63  }
0x1a: {  	_ =	swait.ge [sflag:s11], $0x50  }
0x1b: {  	[sflag:s11] =	ssyncset.done $0x0  }
0x1c: {  	[sflag:s11] =	ssyncadd.s32 $0xFFFFFFB0  }
0x1d: {  	[spmem:s3] =	stream.indirect.scatter.add.f32 [tilespmem:s12], [sflag:$0x1], $0x80, s13, s14, $0xb8;
	[tilespmem:$0x16480] =	vst v63  }
0x1e: {  	_ =	swait.ge [sflag:s11], $0x2800  }
0x1f: {  	s17 =	simm.s32 $0x14;
	s16 =	simm.s32 $0xA;
	[sflag:s11] =	ssyncset.done $0x0  }
.LBB2_2:
0x20: {  	s18 =	sadd.s32 s16, s9  }
0x21: {  	[sflag:s11] =	ssyncadd.s32 $0xFFFFD800;
	s16 =	smov.u32 s17;
	s19 =	sadd.s32 $0xA, s17  }
0x22: {  	[tilespmem:s13], [sflag:$0x1] =	stream.linear.gather [hbm4b:s18+s4], $0x50, $0x38;
	[tilespmem:$0x16480] =	vst v63  }
0x23: {  	p0 =	sne.s32 s17, $0x4F6;
	_ =	swait.ge [sflag:s11], $0x50  }
.Ltmp0:
0x24: {  	[sflag:s11] =	ssyncset.done $0x0;
	(pc) =	sbr.rel @p0 .LBB2_2-.Ltmp0, $4  }
0x25: {  	[sflag:s11] =	ssyncadd.s32 $0xFFFFFFB0  }
0x26: {  	[spmem:s3] =	stream.indirect.scatter.add.f32 [tilespmem:s12], [sflag:$0x1], $0x80, s13, s14, $0xb8;
	[tilespmem:$0x16480] =	vst v63  }
0x27: {  	_ =	swait.ge [sflag:s11], $0x2800  }
0x28: {  	s17 =	smov.u32 s19;
	[sflag:s11] =	ssyncset.done $0x0  }
0x29: {  	s16 =	sadd.s32 s16, s9;
	[sflag:s11] =	ssyncadd.s32 $0xFFFFD800  }
0x2a: {  	[tilespmem:s13], [sflag:$0x1] =	stream.linear.gather [hbm4b:s16+s4], $0x50, $0x38;
	[tilespmem:$0x16480] =	vst v63  }
0x2b: {  	_ =	swait.ge [sflag:s11], $0x50  }
0x2c: {  	[sflag:s11] =	ssyncset.done $0x0  }
0x2d: {  	[sflag:s11] =	ssyncadd.s32 $0xFFFFFFB0  }
0x2e: {  	[spmem:s3] =	stream.indirect.scatter.add.f32 [tilespmem:s12], [sflag:$0x1], $0x80, s13, s14, $0xb8;
	[tilespmem:$0x16480] =	vst v63  }
0x2f: {  	_ =	swait.ge [sflag:s11], $0x2800  }
0x30: {  	s15 =	sadd.s32 $0x1, s15;
	[sflag:s11] =	ssyncset.done $0x0  }
0x31: {  	p0 =	sne.s32 s15, s8;
	[sflag:s11] =	ssyncadd.s32 $0xFFFFD800  }
.Ltmp1:
0x32: {  	[bflag:$0x0] =	sbarrier.arrive $0xFFFF;
	(pc) =	sbr.rel @p0 .LBB2_1-.Ltmp1, $4  }
0x33: {  	[hbm:s7], [sflag:s6] =	dma.local [spmem:s10], $0x2780  }
0x34: {  	_ =	swait.ge [sflag:s11], $0x2780  }
0x35: {  	[sflag:s11] =	ssyncset.done $0x0  }
0x36: {  	[sflag:s11] =	ssyncadd.s32 $0xFFFFD880  }
0x37: {  	_ =	sfence.sel $0x180000  }
0x38: {  	[bflag:$0x0] =	sbarrier.arrive $0xFFFF  }
0x39: {  	p0 =	sne.s32 s0, $0x0;
	_ =	strace $0x90000047  }
0x3a: {  	s0 =	sadd.s32 @!p0 $0x100000, s1;
	[bflag:$0x2] =	sbarrier.arrive $0xFFFF  }
0x3b: {  	[sflag:s0] =	ssyncadd.tile.s32 @!p0 $0x1;
	_ =	shalt  }
.Lfunc_end2:
_tile_overlayer_lowered:
.L_overlay_start_2:
0x3c: {  	(tag) =	ssettag $0x2  }
0x3d: {  	s0 =	rddreg [dreg:$0x0];
	s2 =	stileid.u32  }
0x3e: {  	s1 =	rddreg [dreg:$0x1];
	p0 =	sne.s32 s2, $0x0  }
0x3f: {  	s3 =	rddreg [dreg:$0x2];
	[bflag:$0x3] =	sbarrier.arrive $0xFFFF;
	s2 =	simm.s32 @!p0 $0x1C01  }
0x40: {  	[timem:s3], [sflag:s2] =	dma.local @!p0 [hbm:s0], s1  }
0x41: {  	s0 =	simm.s32 @!p0 $0x1  }
0x42: {  	_ =	swait.ge @!p0 [sflag:s0], s1  }
0x43: {  	s1 =	ssub.s32 @!p0 $0x0, s1;
	[sflag:s0] =	ssyncset.done @!p0 $0x0  }
0x44: {  	[sflag:s0] =	ssyncadd.s32 @!p0 s1  }
0x45: {  	[bflag:$0x3] =	sbarrier.arrive $0xFFFF  }
0x46: {  	_ =	shalt  }

</sc_bundles>
